<compile_context>
chip_gen: v7x
topology: tpu7x:2x2x1
jax: 0.10.2.dev20260603
libtpu: 0.0.44.dev20260713+nightly
codegen_flags: <defaults>
</compile_context>

<pallas_src>
import functools

import jax
import jax.numpy as jnp
from jax import lax
from jax.experimental import pallas as pl
from jax.experimental.pallas import tpu as pltpu
from jax.experimental.pallas import tpu_sc as plsc

_N = 64
_R = 576
_D = 64
_K = 1024
_NTOK = _N * _R

_BM = 6144
_GRID = _NTOK // _BM

_NB = 8
_LGRID = _N // _NB

_LAM_VQ = 1.0
_LAM_COMMIT = 0.5
_LAM_ORTH = 0.0

_EPS32 = 1.1920929e-07
_TOLC = (_K * _EPS32) ** 2


def _argmin_body(x_ref, w_ref, o_ref):
    x = x_ref[...]
    w = w_ref[...]
    m2 = lax.dot_general(x, w * -2.0, (((1,), (0,)), ((), ())),
                         preferred_element_type=jnp.float32)
    x2 = jnp.sum(x * x, axis=1, keepdims=True)
    e2 = jnp.sum(w * w, axis=0, keepdims=True)
    dist = x2 + m2 + e2
    mn = jnp.min(dist, axis=1, keepdims=True)
    lanef = lax.broadcasted_iota(jnp.int32, dist.shape, 1).astype(jnp.float32)
    idxf = jnp.min(jnp.where(dist == mn, lanef, jnp.float32(_K)), axis=1)
    o_ref[...] = idxf.astype(jnp.int32).reshape(_BM // 128, 128)


def _argmin_call(flat, weight):
    ntok = flat.shape[0]
    idx2 = pl.pallas_call(
        _argmin_body,
        grid=(ntok // _BM,),
        in_specs=[
            pl.BlockSpec((_BM, _D), lambda i: (i, 0)),
            pl.BlockSpec((_D, _K), lambda i: (0, 0)),
        ],
        out_specs=pl.BlockSpec((_BM // 128, 128), lambda i: (i, 0)),
        out_shape=jax.ShapeDtypeStruct((ntok // 128, 128), jnp.int32),
    )(flat, weight)
    return idx2.reshape(-1)


def _sc_gather(emb, idx):
    info = plsc.get_sparse_core_info()
    nc, ns = info.num_cores, info.num_subcores
    nw = nc * ns
    b = idx.shape[0]
    b_per_w = b // nw
    ch = 128
    n_ch = -(-b_per_w // ch)
    mesh = plsc.VectorSubcoreMesh(core_axis_name="c", subcore_axis_name="s")

    nb_w = b_per_w // _R

    @functools.partial(
        pl.kernel, mesh=mesh,
        compiler_params=pltpu.CompilerParams(use_tc_tiling_on_sc=False),
        out_type=[jax.ShapeDtypeStruct((b, _D), jnp.float32),
                  jax.ShapeDtypeStruct((b // _R, _R), jnp.int32)],
        scratch_types=[
            pltpu.VMEM((b_per_w,), jnp.int32),
            pltpu.VMEM((nb_w, _R), jnp.int32),
            pltpu.VMEM((b_per_w, _D), jnp.float32),
            pltpu.SemaphoreType.DMA,
        ],
    )
    def k(emb_hbm, idx_hbm, out_hbm, fidx_hbm, idx_v, idx_v2, rows_v, sem):
        wid = lax.axis_index("s") * nc + lax.axis_index("c")
        base = wid * b_per_w
        pltpu.sync_copy(idx_hbm.at[pl.ds(base, b_per_w)], idx_v)
        copies = []
        for j in range(n_ch):
            lo = j * ch
            sz = min(ch, b_per_w - lo)
            copies.append(pltpu.async_copy(
                emb_hbm.at[idx_v.at[pl.ds(lo, sz)]],
                rows_v.at[pl.ds(lo, sz)], sem))
        for r in range(nb_w):
            pltpu.sync_copy(idx_hbm.at[pl.ds(base + r * _R, _R)], idx_v2.at[r])
        pltpu.sync_copy(idx_v2, fidx_hbm.at[pl.ds(wid * nb_w, nb_w)])
        for c in copies:
            c.wait()
        pltpu.sync_copy(rows_v, out_hbm.at[pl.ds(base, b_per_w)])

    return k(emb, idx)


def _rankorth_body(w_ref, orth_ref, rank_ref):
    w = w_ref[...]
    g = lax.dot_general(w, w, (((1,), (1,)), ((), ())),
                        precision=lax.Precision.HIGHEST,
                        preferred_element_type=jnp.float32)
    subl = lax.broadcasted_iota(jnp.int32, (_D, _D), 0)
    lane = lax.broadcasted_iota(jnp.int32, (_D, _D), 1)
    eye = jnp.where(subl == lane, 1.0, 0.0).astype(jnp.float32)
    gi = g - eye
    orth_ref[0, 0] = jnp.sqrt(jnp.sum(gi * gi))

    def piter(_, carry):
        vrow, lam = carry
        vcol = jnp.sum(g * vrow, axis=1, keepdims=True)
        vcol = vcol / jnp.max(jnp.abs(vcol))
        vrow2 = jnp.sum(g * vcol, axis=0, keepdims=True)
        lam2 = jnp.max(jnp.abs(vrow2))
        return (vrow2 / lam2, lam2)
    _, lam = lax.fori_loop(
        0, 8, piter, (jnp.ones((1, _D), jnp.float32),
                      jnp.asarray(1.0, jnp.float32)))

    tau = lam * _TOLC
    a0 = g - tau * eye
    lane1 = lax.broadcasted_iota(jnp.int32, (1, _D), 1)
    sub1 = lax.broadcasted_iota(jnp.int32, (_D, 1), 0)

    def ldl_step(j, carry):
        a, cnt = carry
        lanej = lane == j
        sublj = subl == j
        d = jnp.sum(jnp.where(lanej & sublj, a, 0.0))
        row = jnp.sum(jnp.where(sublj, a, 0.0), axis=0, keepdims=True)
        col = jnp.sum(jnp.where(lanej, a, 0.0), axis=1, keepdims=True)
        rowm = jnp.where(lane1 > j, row, 0.0)
        colm = jnp.where(sub1 > j, col, 0.0)
        dsafe = jnp.where(d == 0.0, jnp.asarray(-1e-30, jnp.float32), d)
        a = a - colm * (rowm / dsafe)
        cnt = cnt + (d > 0.0).astype(jnp.int32)
        return (a, cnt)
    _, cnt = lax.fori_loop(0, _D, ldl_step, (a0, jnp.asarray(0, jnp.int32)))
    rank_ref[0, 0] = cnt.astype(jnp.float32)


def _rankorth_call(weight):
    scal = jax.ShapeDtypeStruct((1, 1), jnp.float32)
    smem_out = pl.BlockSpec(memory_space=pltpu.SMEM)
    return pl.pallas_call(
        _rankorth_body,
        out_specs=[smem_out, smem_out],
        out_shape=[scal, scal],
    )(weight)


def _loss_step(x_ref, q_ref, d4_sqrt_acc):
    diff = q_ref[...] - x_ref[...]
    d2 = diff * diff
    d4 = d2 * d2
    c = jnp.float32(0.0)
    for bi in range(_NB):
        s = jnp.sum(d4[bi * _R:(bi + 1) * _R], axis=0)
        c = c + jnp.sum(jnp.sqrt(s))
    d4_sqrt_acc[0] += c


def _loss_part_body(x_ref, q_ref, accin_ref, accout_ref, acc_ref):
    step = pl.program_id(0)

    @pl.when(step == 0)
    def _init():
        acc_ref[0] = accin_ref[0, 0]

    _loss_step(x_ref, q_ref, acc_ref)

    @pl.when(step == pl.num_programs(0) - 1)
    def _fin():
        accout_ref[0, 0] = acc_ref[0]


def _loss_final_body(x_ref, q_ref, accin_ref, orth_ref, vq_ref, ql_ref, acc_ref):
    step = pl.program_id(0)

    @pl.when(step == 0)
    def _init():
        acc_ref[0] = accin_ref[0, 0]

    _loss_step(x_ref, q_ref, acc_ref)

    @pl.when(step == pl.num_programs(0) - 1)
    def _fin():
        vq = acc_ref[0] / (_N * _D)
        vq_ref[0, 0] = vq
        ql_ref[0, 0] = _LAM_VQ * vq + _LAM_COMMIT * vq + _LAM_ORTH * orth_ref[0, 0]


def _loss_call(flat, quant_part, row0, acc_in, orth=None):
    rows = quant_part.shape[0]
    grid = rows // (_NB * _R)
    blk0 = row0 // (_NB * _R)
    scal = jax.ShapeDtypeStruct((1, 1), jnp.float32)
    smem = pl.BlockSpec(memory_space=pltpu.SMEM)
    in_specs = [
        pl.BlockSpec((_NB * _R, _D), lambda i: (i + blk0, 0)),
        pl.BlockSpec((_NB * _R, _D), lambda i: (i, 0)),
        smem,
    ]
    if orth is None:
        return pl.pallas_call(
            _loss_part_body,
            grid=(grid,),
            in_specs=in_specs,
            out_specs=smem,
            out_shape=scal,
            scratch_shapes=[pltpu.SMEM((1,), jnp.float32)],
        )(flat, quant_part, acc_in)
    return pl.pallas_call(
        _loss_final_body,
        grid=(grid,),
        in_specs=in_specs + [smem],
        out_specs=[smem, smem],
        out_shape=[scal, scal],
        scratch_shapes=[pltpu.SMEM((1,), jnp.float32)],
    )(flat, quant_part, acc_in, orth)


def kernel(soft_fillers, weight):
    n, r, d = soft_fillers.shape
    flat = soft_fillers.reshape(n * r, d)
    emb = weight.T
    idx = _argmin_call(flat, weight)
    quant, fidx = _sc_gather(emb, idx)
    orth, rank = _rankorth_call(weight)
    zero = jnp.zeros((1, 1), jnp.float32)
    vq, ql = _loss_call(flat, quant, 0, zero, orth)
    quant3 = quant.reshape(n, r, d)
    return (ql[0, 0], vq[0, 0], vq[0, 0], orth[0, 0], rank[0, 0],
            quant3, quant3, fidx)

# --- scband reference (transcript-rebuilt; emitter-appended) ---
"""Pipeline reference for scband-quantiser-47304769798293 (READ-ONLY COPY).

The authoritative reference and input builder live on the scoring server;
editing this copy changes nothing except your own understanding.
"""

import jax, jax.numpy as jnp
import numpy as np

N_FILLERS = 1024
EMBED_DIM = 64
LAMBDAS = {"vq_penalty": 1.0, "commitment_penalty": 0.5, "orth_penalty_filler": 0.0}


def setup_inputs(seed: int = 0) -> dict:
    key = jax.random.key(seed)
    k1, k2 = jax.random.split(key)
    soft_fillers = jax.random.normal(k1, (64, 576, EMBED_DIM), dtype=jnp.float32)
    # NearestEmbed stores weight with shape (embedding_dim, num_embeddings)
    weight = jax.random.normal(k2, (EMBED_DIM, N_FILLERS), dtype=jnp.float32) * 0.05
    return {"soft_fillers": soft_fillers, "weight": weight}


def nearest_embed(x, weight):
    # x: [N, R, D]; weight: [D, K]; returns quantised [N, R, D] and idx [N*R]
    N, R, D = x.shape
    flat = x.reshape(-1, D)
    emb = weight.T  # [K, D]
    x2 = jnp.sum(flat * flat, axis=1, keepdims=True)
    e2 = jnp.sum(emb * emb, axis=1)[None, :]
    dist = x2 - 2.0 * (flat @ emb.T) + e2
    idx = jnp.argmin(dist, axis=1)
    quant = jnp.take(emb, idx, axis=0)
    return quant.reshape(N, R, D), idx


def semi_orth_penalty(A):
    r, c = A.shape
    if r <= c:
        G = A @ A.T
        I = jnp.eye(r, dtype=A.dtype)
    else:
        G = A.T @ A
        I = jnp.eye(c, dtype=A.dtype)
    return jnp.linalg.norm(G - I)


def reference(soft_fillers, weight):
    N, n_roles, D = soft_fillers.shape
    # quantised with weight stop-gradient (weight_sg=True path)
    quantised_fillers_sg, idx = nearest_embed(soft_fillers, jax.lax.stop_gradient(weight))
    # quantised with detached input (grad flows to weight via gather->scatter-add)
    quantised_fillers, _ = nearest_embed(jax.lax.stop_gradient(soft_fillers), weight)
    filler_idxs = idx.reshape(N, -1)

    # torch.norm((a-b)**2, 2, 1): L2 norm of squared diff along the role axis -> [N, D], then mean
    vq_loss = jnp.mean(jnp.sqrt(jnp.sum(((quantised_fillers - jax.lax.stop_gradient(soft_fillers)) ** 2) ** 2, axis=1)))
    commit_loss = jnp.mean(jnp.sqrt(jnp.sum(((jax.lax.stop_gradient(quantised_fillers) - soft_fillers) ** 2) ** 2, axis=1)))
    orth_penalty_filler = semi_orth_penalty(weight.T)

    penalties = jnp.stack([vq_loss, commit_loss, orth_penalty_filler])
    lambdas = jnp.array([LAMBDAS["vq_penalty"], LAMBDAS["commitment_penalty"], LAMBDAS["orth_penalty_filler"]], dtype=jnp.float32)
    quantisation_loss = jnp.sum(lambdas * penalties)
    filler_rank = jnp.linalg.matrix_rank(weight).astype(jnp.float32)

    return (quantisation_loss, vq_loss, commit_loss, orth_penalty_filler, filler_rank,
            quantised_fillers_sg, quantised_fillers, filler_idxs)

if __name__ == "__main__":
    import jax
    _d = setup_inputs()
    print(jax.jit(kernel)(*tuple(_d.values())))

</pallas_src>

<mosaic_0001>
#map = affine_map<(d0, d1) -> (0, 0)>
#map1 = affine_map<(d0, d1) -> (0)>
module attributes {stable_mosaic.version = 14 : i64} {
  func.func @k(%arg0: i32, %arg1: i32, %arg2: memref<1024x64xf32, #tpu.memory_space<hbm>>, %arg3: memref<36864xi32, #tpu.memory_space<hbm>>, %arg4: memref<36864x64xf32, #tpu.memory_space<hbm>>, %arg5: memref<64x576xi32, #tpu.memory_space<hbm>>, %arg6: memref<1152xi32, #tpu.memory_space<vmem>>, %arg7: memref<2x576xi32, #tpu.memory_space<vmem>>, %arg8: memref<1152x64xf32, #tpu.memory_space<vmem>>, %arg9: memref<!tpu.dma_semaphore, #tpu.memory_space<semaphore_mem>>) attributes {dimension_semantics = [#tpu.dimension_semantics<core_parallel>, #tpu.dimension_semantics<subcore_parallel>], iteration_bounds = array<i64: 2, 16>, scalar_prefetch = 0 : i64, scratch_operands = 4 : i64, tpu.core_type = #tpu.core_type<sc_vector_subcore>, window_params = [{transform_indices = #map}, {transform_indices = #map1}, {transform_indices = #map}, {transform_indices = #map}]} {
    %mul3A = arith.constant 2 : i32
    %mul3A_0 = arith.muli %arg1, %mul3A : i32
    %add3A = arith.addi %mul3A_0, %arg0 : i32
    %mul3A_1 = arith.constant 1152 : i32
    %mul3A_2 = arith.muli %add3A, %mul3A_1 : i32
    "tpu.region"() ({
      %run_scoped3A_152 = tpu.sem_alloc : memref<!tpu.dma_semaphore, #tpu.memory_space<semaphore_mem>>
      %dma_start3A_153 = tpu.memref_slice %arg3[%mul3A_2] : memref<36864xi32, #tpu.memory_space<hbm>> -> memref<1152xi32, #tpu.memory_space<hbm>>
      %dma_start3A_154 = tpu.memref_slice %arg3[%mul3A_2] : memref<36864xi32, #tpu.memory_space<hbm>> -> memref<1152xi32, #tpu.memory_space<hbm>>
      tpu.enqueue_dma source(%dma_start3A_154 : memref<1152xi32, #tpu.memory_space<hbm>>) target(%arg6 : memref<1152xi32, #tpu.memory_space<vmem>>) target_semaphore(%run_scoped3A_152 : memref<!tpu.dma_semaphore, #tpu.memory_space<semaphore_mem>>)
      %dma_wait3A_155 = tpu.memref_slice %arg3[%mul3A_2] : memref<36864xi32, #tpu.memory_space<hbm>> -> memref<1152xi32, #tpu.memory_space<hbm>>
      %dma_wait3A_156 = tpu.memref_slice %arg3[%mul3A_2] : memref<36864xi32, #tpu.memory_space<hbm>> -> memref<1152xi32, #tpu.memory_space<hbm>>
      tpu.wait_dma2 semaphore(%run_scoped3A_152 : memref<!tpu.dma_semaphore, #tpu.memory_space<semaphore_mem>>) src(%dma_wait3A_156 : memref<1152xi32, #tpu.memory_space<hbm>>) dst(%arg6 : memref<1152xi32, #tpu.memory_space<vmem>>)
      tpu.yield
    }) : () -> ()
    %dma_start3A = arith.constant 0 : i32
    %dma_start3A_3 = arith.constant 0 : i32
    %dma_start3A_4 = tpu.memref_slice %arg8[%dma_start3A, %dma_start3A_3] : memref<1152x64xf32, #tpu.memory_space<vmem>> -> memref<128x64xf32, #tpu.memory_space<vmem>>
    %dma_start3A_5 = arith.constant 0 : i32
    %dma_start3A_6 = tpu.memref_slice %arg6[%dma_start3A_5] : memref<1152xi32, #tpu.memory_space<vmem>> -> memref<128xi32, #tpu.memory_space<vmem>>
    %dma_start3A_7 = arith.constant 0 : i32
    %dma_start3A_8 = arith.constant 0 : i32
    %dma_start3A_9 = tpu.memref_slice %arg2[%dma_start3A_7, %dma_start3A_8] : memref<1024x64xf32, #tpu.memory_space<hbm>> -> memref<1024x64xf32, #tpu.memory_space<hbm>>
    tpu.enqueue_indirect_dma source(%dma_start3A_9 : memref<1024x64xf32, #tpu.memory_space<hbm>>) target(%dma_start3A_4 : memref<128x64xf32, #tpu.memory_space<vmem>>) offsets(%dma_start3A_6 : memref<128xi32, #tpu.memory_space<vmem>>) semaphore(%arg9 : memref<!tpu.dma_semaphore, #tpu.memory_space<semaphore_mem>>)
    %dma_start3A_10 = arith.constant 128 : i32
    %dma_start3A_11 = arith.constant 0 : i32
    %dma_start3A_12 = tpu.memref_slice %arg8[%dma_start3A_10, %dma_start3A_11] : memref<1152x64xf32, #tpu.memory_space<vmem>> -> memref<128x64xf32, #tpu.memory_space<vmem>>
    %dma_start3A_13 = arith.constant 128 : i32
    %dma_start3A_14 = tpu.memref_slice %arg6[%dma_start3A_13] : memref<1152xi32, #tpu.memory_space<vmem>> -> memref<128xi32, #tpu.memory_space<vmem>>
    %dma_start3A_15 = arith.constant 0 : i32
    %dma_start3A_16 = arith.constant 0 : i32
    %dma_start3A_17 = tpu.memref_slice %arg2[%dma_start3A_15, %dma_start3A_16] : memref<1024x64xf32, #tpu.memory_space<hbm>> -> memref<1024x64xf32, #tpu.memory_space<hbm>>
    tpu.enqueue_indirect_dma source(%dma_start3A_17 : memref<1024x64xf32, #tpu.memory_space<hbm>>) target(%dma_start3A_12 : memref<128x64xf32, #tpu.memory_space<vmem>>) offsets(%dma_start3A_14 : memref<128xi32, #tpu.memory_space<vmem>>) semaphore(%arg9 : memref<!tpu.dma_semaphore, #tpu.memory_space<semaphore_mem>>)
    %dma_start3A_18 = arith.constant 256 : i32
    %dma_start3A_19 = arith.constant 0 : i32
    %dma_start3A_20 = tpu.memref_slice %arg8[%dma_start3A_18, %dma_start3A_19] : memref<1152x64xf32, #tpu.memory_space<vmem>> -> memref<128x64xf32, #tpu.memory_space<vmem>>
    %dma_start3A_21 = arith.constant 256 : i32
    %dma_start3A_22 = tpu.memref_slice %arg6[%dma_start3A_21] : memref<1152xi32, #tpu.memory_space<vmem>> -> memref<128xi32, #tpu.memory_space<vmem>>
    %dma_start3A_23 = arith.constant 0 : i32
    %dma_start3A_24 = arith.constant 0 : i32
    %dma_start3A_25 = tpu.memref_slice %arg2[%dma_start3A_23, %dma_start3A_24] : memref<1024x64xf32, #tpu.memory_space<hbm>> -> memref<1024x64xf32, #tpu.memory_space<hbm>>
    tpu.enqueue_indirect_dma source(%dma_start3A_25 : memref<1024x64xf32, #tpu.memory_space<hbm>>) target(%dma_start3A_20 : memref<128x64xf32, #tpu.memory_space<vmem>>) offsets(%dma_start3A_22 : memref<128xi32, #tpu.memory_space<vmem>>) semaphore(%arg9 : memref<!tpu.dma_semaphore, #tpu.memory_space<semaphore_mem>>)
    %dma_start3A_26 = arith.constant 384 : i32
    %dma_start3A_27 = arith.constant 0 : i32
    %dma_start3A_28 = tpu.memref_slice %arg8[%dma_start3A_26, %dma_start3A_27] : memref<1152x64xf32, #tpu.memory_space<vmem>> -> memref<128x64xf32, #tpu.memory_space<vmem>>
    %dma_start3A_29 = arith.constant 384 : i32
    %dma_start3A_30 = tpu.memref_slice %arg6[%dma_start3A_29] : memref<1152xi32, #tpu.memory_space<vmem>> -> memref<128xi32, #tpu.memory_space<vmem>>
    %dma_start3A_31 = arith.constant 0 : i32
    %dma_start3A_32 = arith.constant 0 : i32
    %dma_start3A_33 = tpu.memref_slice %arg2[%dma_start3A_31, %dma_start3A_32] : memref<1024x64xf32, #tpu.memory_space<hbm>> -> memref<1024x64xf32, #tpu.memory_space<hbm>>
    tpu.enqueue_indirect_dma source(%dma_start3A_33 : memref<1024x64xf32, #tpu.memory_space<hbm>>) target(%dma_start3A_28 : memref<128x64xf32, #tpu.memory_space<vmem>>) offsets(%dma_start3A_30 : memref<128xi32, #tpu.memory_space<vmem>>) semaphore(%arg9 : memref<!tpu.dma_semaphore, #tpu.memory_space<semaphore_mem>>)
    %dma_start3A_34 = arith.constant 512 : i32
    %dma_start3A_35 = arith.constant 0 : i32
    %dma_start3A_36 = tpu.memref_slice %arg8[%dma_start3A_34, %dma_start3A_35] : memref<1152x64xf32, #tpu.memory_space<vmem>> -> memref<128x64xf32, #tpu.memory_space<vmem>>
    %dma_start3A_37 = arith.constant 512 : i32
    %dma_start3A_38 = tpu.memref_slice %arg6[%dma_start3A_37] : memref<1152xi32, #tpu.memory_space<vmem>> -> memref<128xi32, #tpu.memory_space<vmem>>
    %dma_start3A_39 = arith.constant 0 : i32
    %dma_start3A_40 = arith.constant 0 : i32
    %dma_start3A_41 = tpu.memref_slice %arg2[%dma_start3A_39, %dma_start3A_40] : memref<1024x64xf32, #tpu.memory_space<hbm>> -> memref<1024x64xf32, #tpu.memory_space<hbm>>
    tpu.enqueue_indirect_dma source(%dma_start3A_41 : memref<1024x64xf32, #tpu.memory_space<hbm>>) target(%dma_start3A_36 : memref<128x64xf32, #tpu.memory_space<vmem>>) offsets(%dma_start3A_38 : memref<128xi32, #tpu.memory_space<vmem>>) semaphore(%arg9 : memref<!tpu.dma_semaphore, #tpu.memory_space<semaphore_mem>>)
    %dma_start3A_42 = arith.constant 640 : i32
    %dma_start3A_43 = arith.constant 0 : i32
    %dma_start3A_44 = tpu.memref_slice %arg8[%dma_start3A_42, %dma_start3A_43] : memref<1152x64xf32, #tpu.memory_space<vmem>> -> memref<128x64xf32, #tpu.memory_space<vmem>>
    %dma_start3A_45 = arith.constant 640 : i32
    %dma_start3A_46 = tpu.memref_slice %arg6[%dma_start3A_45] : memref<1152xi32, #tpu.memory_space<vmem>> -> memref<128xi32, #tpu.memory_space<vmem>>
    %dma_start3A_47 = arith.constant 0 : i32
    %dma_start3A_48 = arith.constant 0 : i32
    %dma_start3A_49 = tpu.memref_slice %arg2[%dma_start3A_47, %dma_start3A_48] : memref<1024x64xf32, #tpu.memory_space<hbm>> -> memref<1024x64xf32, #tpu.memory_space<hbm>>
    tpu.enqueue_indirect_dma source(%dma_start3A_49 : memref<1024x64xf32, #tpu.memory_space<hbm>>) target(%dma_start3A_44 : memref<128x64xf32, #tpu.memory_space<vmem>>) offsets(%dma_start3A_46 : memref<128xi32, #tpu.memory_space<vmem>>) semaphore(%arg9 : memref<!tpu.dma_semaphore, #tpu.memory_space<semaphore_mem>>)
    %dma_start3A_50 = arith.constant 768 : i32
    %dma_start3A_51 = arith.constant 0 : i32
    %dma_start3A_52 = tpu.memref_slice %arg8[%dma_start3A_50, %dma_start3A_51] : memref<1152x64xf32, #tpu.memory_space<vmem>> -> memref<128x64xf32, #tpu.memory_space<vmem>>
    %dma_start3A_53 = arith.constant 768 : i32
    %dma_start3A_54 = tpu.memref_slice %arg6[%dma_start3A_53] : memref<1152xi32, #tpu.memory_space<vmem>> -> memref<128xi32, #tpu.memory_space<vmem>>
    %dma_start3A_55 = arith.constant 0 : i32
    %dma_start3A_56 = arith.constant 0 : i32
    %dma_start3A_57 = tpu.memref_slice %arg2[%dma_start3A_55, %dma_start3A_56] : memref<1024x64xf32, #tpu.memory_space<hbm>> -> memref<1024x64xf32, #tpu.memory_space<hbm>>
    tpu.enqueue_indirect_dma source(%dma_start3A_57 : memref<1024x64xf32, #tpu.memory_space<hbm>>) target(%dma_start3A_52 : memref<128x64xf32, #tpu.memory_space<vmem>>) offsets(%dma_start3A_54 : memref<128xi32, #tpu.memory_space<vmem>>) semaphore(%arg9 : memref<!tpu.dma_semaphore, #tpu.memory_space<semaphore_mem>>)
    %dma_start3A_58 = arith.constant 896 : i32
    %dma_start3A_59 = arith.constant 0 : i32
    %dma_start3A_60 = tpu.memref_slice %arg8[%dma_start3A_58, %dma_start3A_59] : memref<1152x64xf32, #tpu.memory_space<vmem>> -> memref<128x64xf32, #tpu.memory_space<vmem>>
    %dma_start3A_61 = arith.constant 896 : i32
    %dma_start3A_62 = tpu.memref_slice %arg6[%dma_start3A_61] : memref<1152xi32, #tpu.memory_space<vmem>> -> memref<128xi32, #tpu.memory_space<vmem>>
    %dma_start3A_63 = arith.constant 0 : i32
    %dma_start3A_64 = arith.constant 0 : i32
    %dma_start3A_65 = tpu.memref_slice %arg2[%dma_start3A_63, %dma_start3A_64] : memref<1024x64xf32, #tpu.memory_space<hbm>> -> memref<1024x64xf32, #tpu.memory_space<hbm>>
    tpu.enqueue_indirect_dma source(%dma_start3A_65 : memref<1024x64xf32, #tpu.memory_space<hbm>>) target(%dma_start3A_60 : memref<128x64xf32, #tpu.memory_space<vmem>>) offsets(%dma_start3A_62 : memref<128xi32, #tpu.memory_space<vmem>>) semaphore(%arg9 : memref<!tpu.dma_semaphore, #tpu.memory_space<semaphore_mem>>)
    %dma_start3A_66 = arith.constant 1024 : i32
    %dma_start3A_67 = arith.constant 0 : i32
    %dma_start3A_68 = tpu.memref_slice %arg8[%dma_start3A_66, %dma_start3A_67] : memref<1152x64xf32, #tpu.memory_space<vmem>> -> memref<128x64xf32, #tpu.memory_space<vmem>>
    %dma_start3A_69 = arith.constant 1024 : i32
    %dma_start3A_70 = tpu.memref_slice %arg6[%dma_start3A_69] : memref<1152xi32, #tpu.memory_space<vmem>> -> memref<128xi32, #tpu.memory_space<vmem>>
    %dma_start3A_71 = arith.constant 0 : i32
    %dma_start3A_72 = arith.constant 0 : i32
    %dma_start3A_73 = tpu.memref_slice %arg2[%dma_start3A_71, %dma_start3A_72] : memref<1024x64xf32, #tpu.memory_space<hbm>> -> memref<1024x64xf32, #tpu.memory_space<hbm>>
    tpu.enqueue_indirect_dma source(%dma_start3A_73 : memref<1024x64xf32, #tpu.memory_space<hbm>>) target(%dma_start3A_68 : memref<128x64xf32, #tpu.memory_space<vmem>>) offsets(%dma_start3A_70 : memref<128xi32, #tpu.memory_space<vmem>>) semaphore(%arg9 : memref<!tpu.dma_semaphore, #tpu.memory_space<semaphore_mem>>)
    %add3A_74 = arith.constant 0 : i32
    %add3A_75 = arith.addi %mul3A_2, %add3A_74 : i32
    %run_scoped3A = arith.constant 0 : i32
    "tpu.region"() ({
      %run_scoped3A_152 = tpu.sem_alloc : memref<!tpu.dma_semaphore, #tpu.memory_space<semaphore_mem>>
      %dma_start3A_153 = arith.constant 0 : i32
      %dma_start3A_154 = tpu.memref_slice %arg7[%run_scoped3A, %dma_start3A_153] : memref<2x576xi32, #tpu.memory_space<vmem>> -> memref<1x576xi32, #tpu.memory_space<vmem>>
      %dma_start3A_155 = tpu.memref_squeeze %dma_start3A_154 : memref<1x576xi32, #tpu.memory_space<vmem>> -> memref<576xi32, #tpu.memory_space<vmem>>
      %dma_start3A_156 = tpu.memref_slice %arg3[%add3A_75] : memref<36864xi32, #tpu.memory_space<hbm>> -> memref<576xi32, #tpu.memory_space<hbm>>
      %dma_start3A_157 = arith.constant 0 : i32
      %dma_start3A_158 = tpu.memref_slice %arg7[%run_scoped3A, %dma_start3A_157] : memref<2x576xi32, #tpu.memory_space<vmem>> -> memref<1x576xi32, #tpu.memory_space<vmem>>
      %dma_start3A_159 = tpu.memref_squeeze %dma_start3A_158 : memref<1x576xi32, #tpu.memory_space<vmem>> -> memref<576xi32, #tpu.memory_space<vmem>>
      %dma_start3A_160 = tpu.memref_slice %arg3[%add3A_75] : memref<36864xi32, #tpu.memory_space<hbm>> -> memref<576xi32, #tpu.memory_space<hbm>>
      tpu.enqueue_dma source(%dma_start3A_160 : memref<576xi32, #tpu.memory_space<hbm>>) target(%dma_start3A_159 : memref<576xi32, #tpu.memory_space<vmem>>) target_semaphore(%run_scoped3A_152 : memref<!tpu.dma_semaphore, #tpu.memory_space<semaphore_mem>>)
      %dma_wait3A_161 = arith.constant 0 : i32
      %dma_wait3A_162 = tpu.memref_slice %arg7[%run_scoped3A, %dma_wait3A_161] : memref<2x576xi32, #tpu.memory_space<vmem>> -> memref<1x576xi32, #tpu.memory_space<vmem>>
      %dma_wait3A_163 = tpu.memref_squeeze %dma_wait3A_162 : memref<1x576xi32, #tpu.memory_space<vmem>> -> memref<576xi32, #tpu.memory_space<vmem>>
      %dma_wait3A_164 = tpu.memref_slice %arg3[%add3A_75] : memref<36864xi32, #tpu.memory_space<hbm>> -> memref<576xi32, #tpu.memory_space<hbm>>
      %dma_wait3A_165 = arith.constant 0 : i32
      %dma_wait3A_166 = tpu.memref_slice %arg7[%run_scoped3A, %dma_wait3A_165] : memref<2x576xi32, #tpu.memory_space<vmem>> -> memref<1x576xi32, #tpu.memory_space<vmem>>
      %dma_wait3A_167 = tpu.memref_squeeze %dma_wait3A_166 : memref<1x576xi32, #tpu.memory_space<vmem>> -> memref<576xi32, #tpu.memory_space<vmem>>
      %dma_wait3A_168 = tpu.memref_slice %arg3[%add3A_75] : memref<36864xi32, #tpu.memory_space<hbm>> -> memref<576xi32, #tpu.memory_space<hbm>>
      tpu.wait_dma2 semaphore(%run_scoped3A_152 : memref<!tpu.dma_semaphore, #tpu.memory_space<semaphore_mem>>) src(%dma_wait3A_168 : memref<576xi32, #tpu.memory_space<hbm>>) dst(%dma_wait3A_167 : memref<576xi32, #tpu.memory_space<vmem>>)
      tpu.yield
    }) : () -> ()
    %add3A_76 = arith.constant 576 : i32
    %add3A_77 = arith.addi %mul3A_2, %add3A_76 : i32
    %run_scoped3A_78 = arith.constant 1 : i32
    "tpu.region"() ({
      %run_scoped3A_152 = tpu.sem_alloc : memref<!tpu.dma_semaphore, #tpu.memory_space<semaphore_mem>>
      %dma_start3A_153 = arith.constant 0 : i32
      %dma_start3A_154 = tpu.memref_slice %arg7[%run_scoped3A_78, %dma_start3A_153] : memref<2x576xi32, #tpu.memory_space<vmem>> -> memref<1x576xi32, #tpu.memory_space<vmem>>
      %dma_start3A_155 = tpu.memref_squeeze %dma_start3A_154 : memref<1x576xi32, #tpu.memory_space<vmem>> -> memref<576xi32, #tpu.memory_space<vmem>>
      %dma_start3A_156 = tpu.memref_slice %arg3[%add3A_77] : memref<36864xi32, #tpu.memory_space<hbm>> -> memref<576xi32, #tpu.memory_space<hbm>>
      %dma_start3A_157 = arith.constant 0 : i32
      %dma_start3A_158 = tpu.memref_slice %arg7[%run_scoped3A_78, %dma_start3A_157] : memref<2x576xi32, #tpu.memory_space<vmem>> -> memref<1x576xi32, #tpu.memory_space<vmem>>
      %dma_start3A_159 = tpu.memref_squeeze %dma_start3A_158 : memref<1x576xi32, #tpu.memory_space<vmem>> -> memref<576xi32, #tpu.memory_space<vmem>>
      %dma_start3A_160 = tpu.memref_slice %arg3[%add3A_77] : memref<36864xi32, #tpu.memory_space<hbm>> -> memref<576xi32, #tpu.memory_space<hbm>>
      tpu.enqueue_dma source(%dma_start3A_160 : memref<576xi32, #tpu.memory_space<hbm>>) target(%dma_start3A_159 : memref<576xi32, #tpu.memory_space<vmem>>) target_semaphore(%run_scoped3A_152 : memref<!tpu.dma_semaphore, #tpu.memory_space<semaphore_mem>>)
      %dma_wait3A_161 = arith.constant 0 : i32
      %dma_wait3A_162 = tpu.memref_slice %arg7[%run_scoped3A_78, %dma_wait3A_161] : memref<2x576xi32, #tpu.memory_space<vmem>> -> memref<1x576xi32, #tpu.memory_space<vmem>>
      %dma_wait3A_163 = tpu.memref_squeeze %dma_wait3A_162 : memref<1x576xi32, #tpu.memory_space<vmem>> -> memref<576xi32, #tpu.memory_space<vmem>>
      %dma_wait3A_164 = tpu.memref_slice %arg3[%add3A_77] : memref<36864xi32, #tpu.memory_space<hbm>> -> memref<576xi32, #tpu.memory_space<hbm>>
      %dma_wait3A_165 = arith.constant 0 : i32
      %dma_wait3A_166 = tpu.memref_slice %arg7[%run_scoped3A_78, %dma_wait3A_165] : memref<2x576xi32, #tpu.memory_space<vmem>> -> memref<1x576xi32, #tpu.memory_space<vmem>>
      %dma_wait3A_167 = tpu.memref_squeeze %dma_wait3A_166 : memref<1x576xi32, #tpu.memory_space<vmem>> -> memref<576xi32, #tpu.memory_space<vmem>>
      %dma_wait3A_168 = tpu.memref_slice %arg3[%add3A_77] : memref<36864xi32, #tpu.memory_space<hbm>> -> memref<576xi32, #tpu.memory_space<hbm>>
      tpu.wait_dma2 semaphore(%run_scoped3A_152 : memref<!tpu.dma_semaphore, #tpu.memory_space<semaphore_mem>>) src(%dma_wait3A_168 : memref<576xi32, #tpu.memory_space<hbm>>) dst(%dma_wait3A_167 : memref<576xi32, #tpu.memory_space<vmem>>)
      tpu.yield
    }) : () -> ()
    %mul3A_79 = arith.constant 2 : i32
    %mul3A_80 = arith.muli %add3A, %mul3A_79 : i32
    "tpu.region"() ({
      %run_scoped3A_152 = tpu.sem_alloc : memref<!tpu.dma_semaphore, #tpu.memory_space<semaphore_mem>>
      %dma_start3A_153 = arith.constant 0 : i32
      %dma_start3A_154 = tpu.memref_slice %arg5[%mul3A_80, %dma_start3A_153] : memref<64x576xi32, #tpu.memory_space<hbm>> -> memref<2x576xi32, #tpu.memory_space<hbm>>
      %dma_start3A_155 = arith.constant 0 : i32
      %dma_start3A_156 = tpu.memref_slice %arg5[%mul3A_80, %dma_start3A_155] : memref<64x576xi32, #tpu.memory_space<hbm>> -> memref<2x576xi32, #tpu.memory_space<hbm>>
      tpu.enqueue_dma source(%arg7 : memref<2x576xi32, #tpu.memory_space<vmem>>) target(%dma_start3A_156 : memref<2x576xi32, #tpu.memory_space<hbm>>) target_semaphore(%run_scoped3A_152 : memref<!tpu.dma_semaphore, #tpu.memory_space<semaphore_mem>>)
      %dma_wait3A_157 = arith.constant 0 : i32
      %dma_wait3A_158 = tpu.memref_slice %arg5[%mul3A_80, %dma_wait3A_157] : memref<64x576xi32, #tpu.memory_space<hbm>> -> memref<2x576xi32, #tpu.memory_space<hbm>>
      %dma_wait3A_159 = arith.constant 0 : i32
      %dma_wait3A_160 = tpu.memref_slice %arg5[%mul3A_80, %dma_wait3A_159] : memref<64x576xi32, #tpu.memory_space<hbm>> -> memref<2x576xi32, #tpu.memory_space<hbm>>
      tpu.wait_dma2 semaphore(%run_scoped3A_152 : memref<!tpu.dma_semaphore, #tpu.memory_space<semaphore_mem>>) src(%arg7 : memref<2x576xi32, #tpu.memory_space<vmem>>) dst(%dma_wait3A_160 : memref<2x576xi32, #tpu.memory_space<hbm>>)
      tpu.yield
    }) : () -> ()
    %dma_wait3A = arith.constant 0 : i32
    %dma_wait3A_81 = arith.constant 0 : i32
    %dma_wait3A_82 = tpu.memref_slice %arg8[%dma_wait3A, %dma_wait3A_81] : memref<1152x64xf32, #tpu.memory_space<vmem>> -> memref<128x64xf32, #tpu.memory_space<vmem>>
    %dma_wait3A_83 = arith.constant 0 : i32
    %dma_wait3A_84 = tpu.memref_slice %arg6[%dma_wait3A_83] : memref<1152xi32, #tpu.memory_space<vmem>> -> memref<128xi32, #tpu.memory_space<vmem>>
    %dma_wait3A_85 = arith.constant 0 : i32
    %dma_wait3A_86 = arith.constant 0 : i32
    %dma_wait3A_87 = tpu.memref_slice %arg2[%dma_wait3A_85, %dma_wait3A_86] : memref<1024x64xf32, #tpu.memory_space<hbm>> -> memref<1024x64xf32, #tpu.memory_space<hbm>>
    tpu.wait_indirect_dma semaphore(%arg9 : memref<!tpu.dma_semaphore, #tpu.memory_space<semaphore_mem>>) src(%dma_wait3A_87 : memref<1024x64xf32, #tpu.memory_space<hbm>>) dst(%dma_wait3A_82 : memref<128x64xf32, #tpu.memory_space<vmem>>)
    %dma_wait3A_88 = arith.constant 128 : i32
    %dma_wait3A_89 = arith.constant 0 : i32
    %dma_wait3A_90 = tpu.memref_slice %arg8[%dma_wait3A_88, %dma_wait3A_89] : memref<1152x64xf32, #tpu.memory_space<vmem>> -> memref<128x64xf32, #tpu.memory_space<vmem>>
    %dma_wait3A_91 = arith.constant 128 : i32
    %dma_wait3A_92 = tpu.memref_slice %arg6[%dma_wait3A_91] : memref<1152xi32, #tpu.memory_space<vmem>> -> memref<128xi32, #tpu.memory_space<vmem>>
    %dma_wait3A_93 = arith.constant 0 : i32
    %dma_wait3A_94 = arith.constant 0 : i32
    %dma_wait3A_95 = tpu.memref_slice %arg2[%dma_wait3A_93, %dma_wait3A_94] : memref<1024x64xf32, #tpu.memory_space<hbm>> -> memref<1024x64xf32, #tpu.memory_space<hbm>>
    tpu.wait_indirect_dma semaphore(%arg9 : memref<!tpu.dma_semaphore, #tpu.memory_space<semaphore_mem>>) src(%dma_wait3A_95 : memref<1024x64xf32, #tpu.memory_space<hbm>>) dst(%dma_wait3A_90 : memref<128x64xf32, #tpu.memory_space<vmem>>)
    %dma_wait3A_96 = arith.constant 256 : i32
    %dma_wait3A_97 = arith.constant 0 : i32
    %dma_wait3A_98 = tpu.memref_slice %arg8[%dma_wait3A_96, %dma_wait3A_97] : memref<1152x64xf32, #tpu.memory_space<vmem>> -> memref<128x64xf32, #tpu.memory_space<vmem>>
    %dma_wait3A_99 = arith.constant 256 : i32
    %dma_wait3A_100 = tpu.memref_slice %arg6[%dma_wait3A_99] : memref<1152xi32, #tpu.memory_space<vmem>> -> memref<128xi32, #tpu.memory_space<vmem>>
    %dma_wait3A_101 = arith.constant 0 : i32
    %dma_wait3A_102 = arith.constant 0 : i32
    %dma_wait3A_103 = tpu.memref_slice %arg2[%dma_wait3A_101, %dma_wait3A_102] : memref<1024x64xf32, #tpu.memory_space<hbm>> -> memref<1024x64xf32, #tpu.memory_space<hbm>>
    tpu.wait_indirect_dma semaphore(%arg9 : memref<!tpu.dma_semaphore, #tpu.memory_space<semaphore_mem>>) src(%dma_wait3A_103 : memref<1024x64xf32, #tpu.memory_space<hbm>>) dst(%dma_wait3A_98 : memref<128x64xf32, #tpu.memory_space<vmem>>)
    %dma_wait3A_104 = arith.constant 384 : i32
    %dma_wait3A_105 = arith.constant 0 : i32
    %dma_wait3A_106 = tpu.memref_slice %arg8[%dma_wait3A_104, %dma_wait3A_105] : memref<1152x64xf32, #tpu.memory_space<vmem>> -> memref<128x64xf32, #tpu.memory_space<vmem>>
    %dma_wait3A_107 = arith.constant 384 : i32
    %dma_wait3A_108 = tpu.memref_slice %arg6[%dma_wait3A_107] : memref<1152xi32, #tpu.memory_space<vmem>> -> memref<128xi32, #tpu.memory_space<vmem>>
    %dma_wait3A_109 = arith.constant 0 : i32
    %dma_wait3A_110 = arith.constant 0 : i32
    %dma_wait3A_111 = tpu.memref_slice %arg2[%dma_wait3A_109, %dma_wait3A_110] : memref<1024x64xf32, #tpu.memory_space<hbm>> -> memref<1024x64xf32, #tpu.memory_space<hbm>>
    tpu.wait_indirect_dma semaphore(%arg9 : memref<!tpu.dma_semaphore, #tpu.memory_space<semaphore_mem>>) src(%dma_wait3A_111 : memref<1024x64xf32, #tpu.memory_space<hbm>>) dst(%dma_wait3A_106 : memref<128x64xf32, #tpu.memory_space<vmem>>)
    %dma_wait3A_112 = arith.constant 512 : i32
    %dma_wait3A_113 = arith.constant 0 : i32
    %dma_wait3A_114 = tpu.memref_slice %arg8[%dma_wait3A_112, %dma_wait3A_113] : memref<1152x64xf32, #tpu.memory_space<vmem>> -> memref<128x64xf32, #tpu.memory_space<vmem>>
    %dma_wait3A_115 = arith.constant 512 : i32
    %dma_wait3A_116 = tpu.memref_slice %arg6[%dma_wait3A_115] : memref<1152xi32, #tpu.memory_space<vmem>> -> memref<128xi32, #tpu.memory_space<vmem>>
    %dma_wait3A_117 = arith.constant 0 : i32
    %dma_wait3A_118 = arith.constant 0 : i32
    %dma_wait3A_119 = tpu.memref_slice %arg2[%dma_wait3A_117, %dma_wait3A_118] : memref<1024x64xf32, #tpu.memory_space<hbm>> -> memref<1024x64xf32, #tpu.memory_space<hbm>>
    tpu.wait_indirect_dma semaphore(%arg9 : memref<!tpu.dma_semaphore, #tpu.memory_space<semaphore_mem>>) src(%dma_wait3A_119 : memref<1024x64xf32, #tpu.memory_space<hbm>>) dst(%dma_wait3A_114 : memref<128x64xf32, #tpu.memory_space<vmem>>)
    %dma_wait3A_120 = arith.constant 640 : i32
    %dma_wait3A_121 = arith.constant 0 : i32
    %dma_wait3A_122 = tpu.memref_slice %arg8[%dma_wait3A_120, %dma_wait3A_121] : memref<1152x64xf32, #tpu.memory_space<vmem>> -> memref<128x64xf32, #tpu.memory_space<vmem>>
    %dma_wait3A_123 = arith.constant 640 : i32
    %dma_wait3A_124 = tpu.memref_slice %arg6[%dma_wait3A_123] : memref<1152xi32, #tpu.memory_space<vmem>> -> memref<128xi32, #tpu.memory_space<vmem>>
    %dma_wait3A_125 = arith.constant 0 : i32
    %dma_wait3A_126 = arith.constant 0 : i32
    %dma_wait3A_127 = tpu.memref_slice %arg2[%dma_wait3A_125, %dma_wait3A_126] : memref<1024x64xf32, #tpu.memory_space<hbm>> -> memref<1024x64xf32, #tpu.memory_space<hbm>>
    tpu.wait_indirect_dma semaphore(%arg9 : memref<!tpu.dma_semaphore, #tpu.memory_space<semaphore_mem>>) src(%dma_wait3A_127 : memref<1024x64xf32, #tpu.memory_space<hbm>>) dst(%dma_wait3A_122 : memref<128x64xf32, #tpu.memory_space<vmem>>)
    %dma_wait3A_128 = arith.constant 768 : i32
    %dma_wait3A_129 = arith.constant 0 : i32
    %dma_wait3A_130 = tpu.memref_slice %arg8[%dma_wait3A_128, %dma_wait3A_129] : memref<1152x64xf32, #tpu.memory_space<vmem>> -> memref<128x64xf32, #tpu.memory_space<vmem>>
    %dma_wait3A_131 = arith.constant 768 : i32
    %dma_wait3A_132 = tpu.memref_slice %arg6[%dma_wait3A_131] : memref<1152xi32, #tpu.memory_space<vmem>> -> memref<128xi32, #tpu.memory_space<vmem>>
    %dma_wait3A_133 = arith.constant 0 : i32
    %dma_wait3A_134 = arith.constant 0 : i32
    %dma_wait3A_135 = tpu.memref_slice %arg2[%dma_wait3A_133, %dma_wait3A_134] : memref<1024x64xf32, #tpu.memory_space<hbm>> -> memref<1024x64xf32, #tpu.memory_space<hbm>>
    tpu.wait_indirect_dma semaphore(%arg9 : memref<!tpu.dma_semaphore, #tpu.memory_space<semaphore_mem>>) src(%dma_wait3A_135 : memref<1024x64xf32, #tpu.memory_space<hbm>>) dst(%dma_wait3A_130 : memref<128x64xf32, #tpu.memory_space<vmem>>)
    %dma_wait3A_136 = arith.constant 896 : i32
    %dma_wait3A_137 = arith.constant 0 : i32
    %dma_wait3A_138 = tpu.memref_slice %arg8[%dma_wait3A_136, %dma_wait3A_137] : memref<1152x64xf32, #tpu.memory_space<vmem>> -> memref<128x64xf32, #tpu.memory_space<vmem>>
    %dma_wait3A_139 = arith.constant 896 : i32
    %dma_wait3A_140 = tpu.memref_slice %arg6[%dma_wait3A_139] : memref<1152xi32, #tpu.memory_space<vmem>> -> memref<128xi32, #tpu.memory_space<vmem>>
    %dma_wait3A_141 = arith.constant 0 : i32
    %dma_wait3A_142 = arith.constant 0 : i32
    %dma_wait3A_143 = tpu.memref_slice %arg2[%dma_wait3A_141, %dma_wait3A_142] : memref<1024x64xf32, #tpu.memory_space<hbm>> -> memref<1024x64xf32, #tpu.memory_space<hbm>>
    tpu.wait_indirect_dma semaphore(%arg9 : memref<!tpu.dma_semaphore, #tpu.memory_space<semaphore_mem>>) src(%dma_wait3A_143 : memref<1024x64xf32, #tpu.memory_space<hbm>>) dst(%dma_wait3A_138 : memref<128x64xf32, #tpu.memory_space<vmem>>)
    %dma_wait3A_144 = arith.constant 1024 : i32
    %dma_wait3A_145 = arith.constant 0 : i32
    %dma_wait3A_146 = tpu.memref_slice %arg8[%dma_wait3A_144, %dma_wait3A_145] : memref<1152x64xf32, #tpu.memory_space<vmem>> -> memref<128x64xf32, #tpu.memory_space<vmem>>
    %dma_wait3A_147 = arith.constant 1024 : i32
    %dma_wait3A_148 = tpu.memref_slice %arg6[%dma_wait3A_147] : memref<1152xi32, #tpu.memory_space<vmem>> -> memref<128xi32, #tpu.memory_space<vmem>>
    %dma_wait3A_149 = arith.constant 0 : i32
    %dma_wait3A_150 = arith.constant 0 : i32
    %dma_wait3A_151 = tpu.memref_slice %arg2[%dma_wait3A_149, %dma_wait3A_150] : memref<1024x64xf32, #tpu.memory_space<hbm>> -> memref<1024x64xf32, #tpu.memory_space<hbm>>
    tpu.wait_indirect_dma semaphore(%arg9 : memref<!tpu.dma_semaphore, #tpu.memory_space<semaphore_mem>>) src(%dma_wait3A_151 : memref<1024x64xf32, #tpu.memory_space<hbm>>) dst(%dma_wait3A_146 : memref<128x64xf32, #tpu.memory_space<vmem>>)
    "tpu.region"() ({
      %run_scoped3A_152 = tpu.sem_alloc : memref<!tpu.dma_semaphore, #tpu.memory_space<semaphore_mem>>
      %dma_start3A_153 = arith.constant 0 : i32
      %dma_start3A_154 = tpu.memref_slice %arg4[%mul3A_2, %dma_start3A_153] : memref<36864x64xf32, #tpu.memory_space<hbm>> -> memref<1152x64xf32, #tpu.memory_space<hbm>>
      %dma_start3A_155 = arith.constant 0 : i32
      %dma_start3A_156 = tpu.memref_slice %arg4[%mul3A_2, %dma_start3A_155] : memref<36864x64xf32, #tpu.memory_space<hbm>> -> memref<1152x64xf32, #tpu.memory_space<hbm>>
      tpu.enqueue_dma source(%arg8 : memref<1152x64xf32, #tpu.memory_space<vmem>>) target(%dma_start3A_156 : memref<1152x64xf32, #tpu.memory_space<hbm>>) target_semaphore(%run_scoped3A_152 : memref<!tpu.dma_semaphore, #tpu.memory_space<semaphore_mem>>)
      %dma_wait3A_157 = arith.constant 0 : i32
      %dma_wait3A_158 = tpu.memref_slice %arg4[%mul3A_2, %dma_wait3A_157] : memref<36864x64xf32, #tpu.memory_space<hbm>> -> memref<1152x64xf32, #tpu.memory_space<hbm>>
      %dma_wait3A_159 = arith.constant 0 : i32
      %dma_wait3A_160 = tpu.memref_slice %arg4[%mul3A_2, %dma_wait3A_159] : memref<36864x64xf32, #tpu.memory_space<hbm>> -> memref<1152x64xf32, #tpu.memory_space<hbm>>
      tpu.wait_dma2 semaphore(%run_scoped3A_152 : memref<!tpu.dma_semaphore, #tpu.memory_space<semaphore_mem>>) src(%arg8 : memref<1152x64xf32, #tpu.memory_space<vmem>>) dst(%dma_wait3A_160 : memref<1152x64xf32, #tpu.memory_space<hbm>>)
      tpu.yield
    }) : () -> ()
    return
  }
}

module attributes {stable_mosaic.version = 14 : i64} {
  func.func @_argmin_body(%arg0: i32, %arg1: memref<6144x64xf32, #tpu.memory_space<vmem>>, %arg2: memref<64x1024xf32, #tpu.memory_space<vmem>>, %arg3: memref<48x128xi32, #tpu.memory_space<vmem>>) attributes {dimension_semantics = [#tpu.dimension_semantics<arbitrary>], iteration_bounds = array<i64: 6>, scalar_prefetch = 0 : i64, scratch_operands = 0 : i64, tpu.core_type = #tpu.core_type<tc>, window_params = [{transform_indices = @transform_0, window_bounds = array<i64: 6144, 64>}, {pipeline_mode = #tpu.pipeline_mode<synchronous>, transform_indices = @transform_1, window_bounds = array<i64: 64, 1024>}, {transform_indices = @transform_2, window_bounds = array<i64: 48, 128>}]} {
    %get3A = arith.constant 0 : index
    %get3A_0 = arith.constant 0 : index
    %get3A_1 = vector.load %arg1[%get3A, %get3A_0] : memref<6144x64xf32, #tpu.memory_space<vmem>>, vector<6144x64xf32>
    %get3A_2 = arith.constant 0 : index
    %get3A_3 = arith.constant 0 : index
    %get3A_4 = vector.load %arg2[%get3A_2, %get3A_3] : memref<64x1024xf32, #tpu.memory_space<vmem>>, vector<64x1024xf32>
    %mul3A = arith.constant -2.000000e+00 : f32
    %mul3A_5 = vector.broadcast %mul3A : f32 to vector<64x1024xf32>
    %mul3A_6 = arith.mulf %get3A_4, %mul3A_5 : vector<64x1024xf32>
    %dot_general3A = arith.constant dense<0.000000e+00> : vector<6144x1024xf32>
    %dot_general3A_7 = tpu.matmul %get3A_1, %mul3A_6, %dot_general3A {dimension_numbers = #tpu.dot_dimension_numbers<[1], [0], [0], [1], [0, 0, 1, 1], [], []>, transpose_lhs_hint = false} : vector<6144x64xf32>, vector<64x1024xf32>, vector<6144x1024xf32> -> vector<6144x1024xf32>
    %mul3A_8 = arith.mulf %get3A_1, %get3A_1 : vector<6144x64xf32>
    %reduce_sum3A = arith.constant dense<0.000000e+00> : vector<6144xf32>
    %reduce_sum3A_9 = vector.multi_reduction <add>, %mul3A_8, %reduce_sum3A [1] : vector<6144x64xf32> to vector<6144xf32>
    %broadcast_in_dim3A = vector.shape_cast %reduce_sum3A_9 : vector<6144xf32> to vector<6144x1xf32>
    %mul3A_10 = arith.mulf %get3A_4, %get3A_4 : vector<64x1024xf32>
    %reduce_sum3A_11 = arith.constant dense<0.000000e+00> : vector<1024xf32>
    %reduce_sum3A_12 = vector.multi_reduction <add>, %mul3A_10, %reduce_sum3A_11 [0] : vector<64x1024xf32> to vector<1024xf32>
    %broadcast_in_dim3A_13 = vector.shape_cast %reduce_sum3A_12 : vector<1024xf32> to vector<1x1024xf32>
    %add3A = vector.broadcast %broadcast_in_dim3A : vector<6144x1xf32> to vector<6144x1024xf32>
    %add3A_14 = arith.addf %add3A, %dot_general3A_7 : vector<6144x1024xf32>
    %add3A_15 = vector.broadcast %broadcast_in_dim3A_13 : vector<1x1024xf32> to vector<6144x1024xf32>
    %add3A_16 = arith.addf %add3A_14, %add3A_15 : vector<6144x1024xf32>
    %reduce_min3A = arith.constant dense<0x7F800000> : vector<6144xf32>
    %reduce_min3A_17 = vector.multi_reduction <minimumf>, %add3A_16, %reduce_min3A [1] : vector<6144x1024xf32> to vector<6144xf32>
    %broadcast_in_dim3A_18 = vector.shape_cast %reduce_min3A_17 : vector<6144xf32> to vector<6144x1xf32>
    %iota3A = tpu.iota {dimensions = array<i32: 1>} : vector<6144x1024xi32>
    %convert_element_type3A = arith.sitofp %iota3A : vector<6144x1024xi32> to vector<6144x1024xf32>
    %eq3A = vector.broadcast %broadcast_in_dim3A_18 : vector<6144x1xf32> to vector<6144x1024xf32>
    %eq3A_19 = arith.cmpf oeq, %add3A_16, %eq3A : vector<6144x1024xf32>
    %jit3A = arith.constant 1.024000e+03 : f32
    %broadcast_in_dim3A_20 = vector.broadcast %jit3A : f32 to vector<6144x1024xf32>
    %select_n3A = arith.select %eq3A_19, %convert_element_type3A, %broadcast_in_dim3A_20 : vector<6144x1024xi1>, vector<6144x1024xf32>
    %reduce_min3A_21 = arith.constant dense<0x7F800000> : vector<6144xf32>
    %reduce_min3A_22 = vector.multi_reduction <minimumf>, %select_n3A, %reduce_min3A_21 [1] : vector<6144x1024xf32> to vector<6144xf32>
    %convert_element_type3A_23 = arith.fptosi %reduce_min3A_22 : vector<6144xf32> to vector<6144xi32>
    %reshape3A = vector.shape_cast %convert_element_type3A_23 : vector<6144xi32> to vector<48x128xi32>
    %swap3A = arith.constant 0 : index
    %swap3A_24 = arith.constant 0 : index
    %swap3A_25 = vector.load %arg3[%swap3A, %swap3A_24] : memref<48x128xi32, #tpu.memory_space<vmem>>, vector<48x128xi32>
    tpu.vector_store %arg3[%swap3A, %swap3A_24], %reshape3A {strides = array<i32>} : memref<48x128xi32, #tpu.memory_space<vmem>>, vector<48x128xi32>,
    return
  }
  func.func @transform_0(%arg0: i32) -> (i32, i32) {
    %c0_i32 = arith.constant 0 : i32
    %c0_i32_0 = arith.constant 0 : i32
    return %arg0, %c0_i32 : i32, i32
  }
  func.func @transform_1(%arg0: i32) -> (i32, i32) {
    %c0_i32 = arith.constant 0 : i32
    %c0_i32_0 = arith.constant 0 : i32
    %c0_i32_1 = arith.constant 0 : i32
    return %c0_i32, %c0_i32_0 : i32, i32
  }
  func.func @transform_2(%arg0: i32) -> (i32, i32) {
    %c0_i32 = arith.constant 0 : i32
    %c0_i32_0 = arith.constant 0 : i32
    return %arg0, %c0_i32 : i32, i32
  }
}

module attributes {stable_mosaic.version = 14 : i64} {
  func.func @_rankorth_body(%arg0: memref<64x1024xf32, #tpu.memory_space<vmem>>, %arg1: memref<1x1xf32, #tpu.memory_space<smem>>, %arg2: memref<1x1xf32, #tpu.memory_space<smem>>) attributes {dimension_semantics = [], scalar_prefetch = 0 : i64, scratch_operands = 0 : i64, tpu.core_type = #tpu.core_type<tc>} {
    %get3A = arith.constant 0 : index
    %get3A_0 = arith.constant 0 : index
    %get3A_1 = vector.load %arg0[%get3A, %get3A_0] : memref<64x1024xf32, #tpu.memory_space<vmem>>, vector<64x1024xf32>
    %dot_general3A = arith.constant dense<0.000000e+00> : vector<64x64xf32>
    %dot_general3A_2 = tpu.matmul %get3A_1, %get3A_1, %dot_general3A {dimension_numbers = #tpu.dot_dimension_numbers<[1], [1], [0], [0], [0, 0, 1, 0], [], []>, precision = #tpu.contract_precision<fp32>, transpose_lhs_hint = false} : vector<64x1024xf32>, vector<64x1024xf32>, vector<64x64xf32> -> vector<64x64xf32>
    %iota3A = tpu.iota {dimensions = array<i32: 0>} : vector<64x64xi32>
    %iota3A_3 = tpu.iota {dimensions = array<i32: 1>} : vector<64x64xi32>
    %eq3A = arith.cmpi eq, %iota3A, %iota3A_3 : vector<64x64xi32>
    %jit3A = arith.constant 1.000000e+00 : f32
    %jit3A_4 = arith.constant 0.000000e+00 : f32
    %broadcast_in_dim3A = vector.broadcast %jit3A : f32 to vector<64x64xf32>
    %broadcast_in_dim3A_5 = vector.broadcast %jit3A_4 : f32 to vector<64x64xf32>
    %select_n3A = arith.select %eq3A, %broadcast_in_dim3A, %broadcast_in_dim3A_5 : vector<64x64xi1>, vector<64x64xf32>
    %sub3A = arith.subf %dot_general3A_2, %select_n3A : vector<64x64xf32>
    %mul3A = arith.mulf %sub3A, %sub3A : vector<64x64xf32>
    %reduce_sum3A = vector.shape_cast %mul3A : vector<64x64xf32> to vector<1x64x64xf32>
    %reduce_sum3A_6 = arith.constant dense<0.000000e+00> : vector<1xf32>
    %reduce_sum3A_7 = vector.multi_reduction <add>, %reduce_sum3A, %reduce_sum3A_6 [1, 2] : vector<1x64x64xf32> to vector<1xf32>
    %reduce_sum3A_8 = vector.shape_cast %reduce_sum3A_7 : vector<1xf32> to vector<1x1x1xf32>
    %reduce_sum3A_9 = vector.extract %reduce_sum3A_8[0, 0, 0] : f32 from vector<1x1x1xf32>
    %sqrt3A = math.sqrt %reduce_sum3A_9 : f32
    %swap3A = arith.constant 0 : index
    %swap3A_10 = arith.constant 0 : index
    %swap3A_11 = memref.load %arg1[%swap3A, %swap3A_10] : memref<1x1xf32, #tpu.memory_space<smem>>
    memref.store %sqrt3A, %arg1[%swap3A, %swap3A_10] : memref<1x1xf32, #tpu.memory_space<smem>>
    %broadcast_in_dim3A_12 = arith.constant 1.000000e+00 : f32
    %broadcast_in_dim3A_13 = vector.broadcast %broadcast_in_dim3A_12 : f32 to vector<1x64xf32>
    %scan3A = arith.constant 1.000000e+00 : f32
    %scan3A_14 = arith.constant 0 : i32
    %scan3A_15 = arith.constant 8 : i32
    %scan3A_16 = arith.addi %scan3A_14, %scan3A_15 : i32
    %scan3A_17 = arith.constant 1 : i32
    %scan3A_18:2 = scf.for %scan3A_36 = %scan3A_14 to %scan3A_16 step %scan3A_17 iter_args(%scan3A_37 = %broadcast_in_dim3A_13, %scan3A_38 = %scan3A) -> (vector<1x64xf32>, f32)  : i32 {
      %mul3A_39 = vector.broadcast %scan3A_37 : vector<1x64xf32> to vector<64x64xf32>
      %mul3A_40 = arith.mulf %dot_general3A_2, %mul3A_39 : vector<64x64xf32>
      %reduce_sum3A_41 = arith.constant dense<0.000000e+00> : vector<64xf32>
      %reduce_sum3A_42 = vector.multi_reduction <add>, %mul3A_40, %reduce_sum3A_41 [1] : vector<64x64xf32> to vector<64xf32>
      %broadcast_in_dim3A_43 = vector.shape_cast %reduce_sum3A_42 : vector<64xf32> to vector<64x1xf32>
      %abs3A = math.absf %broadcast_in_dim3A_43 : vector<64x1xf32>
      %reduce_max3A = vector.shape_cast %abs3A : vector<64x1xf32> to vector<1x64x1xf32>
      %reduce_max3A_44 = arith.constant dense<0xFF800000> : vector<1xf32>
      %reduce_max3A_45 = vector.multi_reduction <maximumf>, %reduce_max3A, %reduce_max3A_44 [1, 2] : vector<1x64x1xf32> to vector<1xf32>
      %reduce_max3A_46 = vector.shape_cast %reduce_max3A_45 : vector<1xf32> to vector<1x1x1xf32>
      %reduce_max3A_47 = vector.extract %reduce_max3A_46[0, 0, 0] : f32 from vector<1x1x1xf32>
      %div3A = vector.broadcast %reduce_max3A_47 : f32 to vector<64x1xf32>
      %div3A_48 = arith.divf %broadcast_in_dim3A_43, %div3A : vector<64x1xf32>
      %mul3A_49 = vector.broadcast %div3A_48 : vector<64x1xf32> to vector<64x64xf32>
      %mul3A_50 = arith.mulf %dot_general3A_2, %mul3A_49 : vector<64x64xf32>
      %reduce_sum3A_51 = arith.constant dense<0.000000e+00> : vector<64xf32>
      %reduce_sum3A_52 = vector.multi_reduction <add>, %mul3A_50, %reduce_sum3A_51 [0] : vector<64x64xf32> to vector<64xf32>
      %broadcast_in_dim3A_53 = vector.shape_cast %reduce_sum3A_52 : vector<64xf32> to vector<1x64xf32>
      %abs3A_54 = math.absf %broadcast_in_dim3A_53 : vector<1x64xf32>
      %reduce_max3A_55 = vector.shape_cast %abs3A_54 : vector<1x64xf32> to vector<1x1x64xf32>
      %reduce_max3A_56 = arith.constant dense<0xFF800000> : vector<1xf32>
      %reduce_max3A_57 = vector.multi_reduction <maximumf>, %reduce_max3A_55, %reduce_max3A_56 [1, 2] : vector<1x1x64xf32> to vector<1xf32>
      %reduce_max3A_58 = vector.shape_cast %reduce_max3A_57 : vector<1xf32> to vector<1x1x1xf32>
      %reduce_max3A_59 = vector.extract %reduce_max3A_58[0, 0, 0] : f32 from vector<1x1x1xf32>
      %div3A_60 = vector.broadcast %reduce_max3A_59 : f32 to vector<1x64xf32>
      %div3A_61 = arith.divf %broadcast_in_dim3A_53, %div3A_60 : vector<1x64xf32>
      scf.yield %div3A_61, %reduce_max3A_59 : vector<1x64xf32>, f32
    }
    %mul3A_19 = arith.constant 1.49011612E-8 : f32
    %mul3A_20 = arith.mulf %scan3A_18#1, %mul3A_19 : f32
    %mul3A_21 = vector.broadcast %mul3A_20 : f32 to vector<64x64xf32>
    %mul3A_22 = arith.mulf %mul3A_21, %select_n3A : vector<64x64xf32>
    %sub3A_23 = arith.subf %dot_general3A_2, %mul3A_22 : vector<64x64xf32>
    %iota3A_24 = tpu.iota {dimensions = array<i32: 1>} : vector<1x64xi32>
    %iota3A_25 = tpu.iota {dimensions = array<i32: 0>} : vector<64x1xi32>
    %scan3A_26 = arith.constant 0 : i32
    %scan3A_27 = arith.constant 0 : i32
    %scan3A_28 = arith.constant 64 : i32
    %scan3A_29 = arith.addi %scan3A_27, %scan3A_28 : i32
    %scan3A_30 = arith.constant 1 : i32
    %scan3A_31:2 = scf.for %scan3A_36 = %scan3A_27 to %scan3A_29 step %scan3A_30 iter_args(%scan3A_37 = %sub3A_23, %scan3A_38 = %scan3A_26) -> (vector<64x64xf32>, i32)  : i32 {
      %eq3A_39 = vector.broadcast %scan3A_36 : i32 to vector<64x64xi32>
      %eq3A_40 = arith.cmpi eq, %iota3A_3, %eq3A_39 : vector<64x64xi32>
      %eq3A_41 = vector.broadcast %scan3A_36 : i32 to vector<64x64xi32>
      %eq3A_42 = arith.cmpi eq, %iota3A, %eq3A_41 : vector<64x64xi32>
      %and3A = arith.andi %eq3A_40, %eq3A_42 : vector<64x64xi1>
      %jit3A_43 = arith.constant 0.000000e+00 : f32
      %broadcast_in_dim3A_44 = vector.broadcast %jit3A_43 : f32 to vector<64x64xf32>
      %select_n3A_45 = arith.select %and3A, %scan3A_37, %broadcast_in_dim3A_44 : vector<64x64xi1>, vector<64x64xf32>
      %reduce_sum3A_46 = vector.shape_cast %select_n3A_45 : vector<64x64xf32> to vector<1x64x64xf32>
      %reduce_sum3A_47 = arith.constant dense<0.000000e+00> : vector<1xf32>
      %reduce_sum3A_48 = vector.multi_reduction <add>, %reduce_sum3A_46, %reduce_sum3A_47 [1, 2] : vector<1x64x64xf32> to vector<1xf32>
      %reduce_sum3A_49 = vector.shape_cast %reduce_sum3A_48 : vector<1xf32> to vector<1x1x1xf32>
      %reduce_sum3A_50 = vector.extract %reduce_sum3A_49[0, 0, 0] : f32 from vector<1x1x1xf32>
      %jit3A_51 = arith.constant 0.000000e+00 : f32
      %broadcast_in_dim3A_52 = vector.broadcast %jit3A_51 : f32 to vector<64x64xf32>
      %select_n3A_53 = arith.select %eq3A_42, %scan3A_37, %broadcast_in_dim3A_52 : vector<64x64xi1>, vector<64x64xf32>
      %reduce_sum3A_54 = arith.constant dense<0.000000e+00> : vector<64xf32>
      %reduce_sum3A_55 = vector.multi_reduction <add>, %select_n3A_53, %reduce_sum3A_54 [0] : vector<64x64xf32> to vector<64xf32>
      %broadcast_in_dim3A_56 = vector.shape_cast %reduce_sum3A_55 : vector<64xf32> to vector<1x64xf32>
      %jit3A_57 = arith.constant 0.000000e+00 : f32
      %broadcast_in_dim3A_58 = vector.broadcast %jit3A_57 : f32 to vector<64x64xf32>
      %select_n3A_59 = arith.select %eq3A_40, %scan3A_37, %broadcast_in_dim3A_58 : vector<64x64xi1>, vector<64x64xf32>
      %reduce_sum3A_60 = arith.constant dense<0.000000e+00> : vector<64xf32>
      %reduce_sum3A_61 = vector.multi_reduction <add>, %select_n3A_59, %reduce_sum3A_60 [1] : vector<64x64xf32> to vector<64xf32>
      %broadcast_in_dim3A_62 = vector.shape_cast %reduce_sum3A_61 : vector<64xf32> to vector<64x1xf32>
      %gt3A = vector.broadcast %scan3A_36 : i32 to vector<1x64xi32>
      %gt3A_63 = arith.cmpi sgt, %iota3A_24, %gt3A : vector<1x64xi32>
      %jit3A_64 = arith.constant 0.000000e+00 : f32
      %broadcast_in_dim3A_65 = vector.broadcast %jit3A_64 : f32 to vector<1x64xf32>
      %select_n3A_66 = arith.select %gt3A_63, %broadcast_in_dim3A_56, %broadcast_in_dim3A_65 : vector<1x64xi1>, vector<1x64xf32>
      %gt3A_67 = vector.broadcast %scan3A_36 : i32 to vector<64x1xi32>
      %gt3A_68 = arith.cmpi sgt, %iota3A_25, %gt3A_67 : vector<64x1xi32>
      %jit3A_69 = arith.constant 0.000000e+00 : f32
      %broadcast_in_dim3A_70 = vector.broadcast %jit3A_69 : f32 to vector<64x1xf32>
      %select_n3A_71 = arith.select %gt3A_68, %broadcast_in_dim3A_62, %broadcast_in_dim3A_70 : vector<64x1xi1>, vector<64x1xf32>
      %eq3A_72 = arith.constant 0.000000e+00 : f32
      %eq3A_73 = arith.cmpf oeq, %reduce_sum3A_50, %eq3A_72 : f32
      %jit3A_74 = arith.constant -1.000000e-30 : f32
      %select_n3A_75 = arith.select %eq3A_73, %jit3A_74, %reduce_sum3A_50 : f32
      %div3A = vector.broadcast %select_n3A_75 : f32 to vector<1x64xf32>
      %div3A_76 = arith.divf %select_n3A_66, %div3A : vector<1x64xf32>
      %mul3A_77 = vector.broadcast %select_n3A_71 : vector<64x1xf32> to vector<64x64xf32>
      %mul3A_78 = vector.broadcast %div3A_76 : vector<1x64xf32> to vector<64x64xf32>
      %mul3A_79 = arith.mulf %mul3A_77, %mul3A_78 : vector<64x64xf32>
      %sub3A_80 = arith.subf %scan3A_37, %mul3A_79 : vector<64x64xf32>
      %gt3A_81 = arith.constant 0.000000e+00 : f32
      %gt3A_82 = arith.cmpf ogt, %reduce_sum3A_50, %gt3A_81 : f32
      %convert_element_type3A_83 = arith.extui %gt3A_82 : i1 to i32
      %add3A = arith.addi %scan3A_38, %convert_element_type3A_83 : i32
      scf.yield %sub3A_80, %add3A : vector<64x64xf32>, i32
    }
    %scan3A_32 = arith.constant 64 : i32
    %convert_element_type3A = arith.sitofp %scan3A_31#1 : i32 to f32
    %swap3A_33 = arith.constant 0 : index
    %swap3A_34 = arith.constant 0 : index
    %swap3A_35 = memref.load %arg2[%swap3A_33, %swap3A_34] : memref<1x1xf32, #tpu.memory_space<smem>>
    memref.store %convert_element_type3A, %arg2[%swap3A_33, %swap3A_34] : memref<1x1xf32, #tpu.memory_space<smem>>
    return
  }
}

module attributes {stable_mosaic.version = 14 : i64} {
  func.func @_loss_final_body(%arg0: i32, %arg1: memref<4608x64xf32, #tpu.memory_space<vmem>>, %arg2: memref<4608x64xf32, #tpu.memory_space<vmem>>, %arg3: memref<1x1xf32, #tpu.memory_space<smem>>, %arg4: memref<1x1xf32, #tpu.memory_space<smem>>, %arg5: memref<1x1xf32, #tpu.memory_space<smem>>, %arg6: memref<1x1xf32, #tpu.memory_space<smem>>, %arg7: memref<1xf32, #tpu.memory_space<smem>>) attributes {dimension_semantics = [#tpu.dimension_semantics<arbitrary>], iteration_bounds = array<i64: 8>, scalar_prefetch = 0 : i64, scratch_operands = 1 : i64, tpu.core_type = #tpu.core_type<tc>, window_params = [{transform_indices = @transform_0, window_bounds = array<i64: 4608, 64>}, {transform_indices = @transform_1, window_bounds = array<i64: 4608, 64>}, {transform_indices = @transform_2, window_bounds = array<i64: 1, 1>}, {transform_indices = @transform_3, window_bounds = array<i64: 1, 1>}, {transform_indices = @transform_4, window_bounds = array<i64: 1, 1>}, {transform_indices = @transform_5, window_bounds = array<i64: 1, 1>}]} {
    %eq3A = arith.constant 0 : i32
    %eq3A_0 = arith.cmpi eq, %arg0, %eq3A : i32
    %convert_element_type3A = arith.extui %eq3A_0 : i1 to i32
    %cond3A = arith.constant 0 : i32
    %cond3A_1 = arith.cmpi ne, %convert_element_type3A, %cond3A : i32
    scf.if %cond3A_1 {
      %get3A_94 = arith.constant 0 : index
      %get3A_95 = arith.constant 0 : index
      %get3A_96 = memref.load %arg3[%get3A_94, %get3A_95] : memref<1x1xf32, #tpu.memory_space<smem>>
      %swap3A_97 = arith.constant 0 : index
      %swap3A_98 = memref.load %arg7[%swap3A_97] : memref<1xf32, #tpu.memory_space<smem>>
      memref.store %get3A_96, %arg7[%swap3A_97] : memref<1xf32, #tpu.memory_space<smem>>
    } else {
    }
    %get3A = arith.constant 0 : index
    %get3A_2 = arith.constant 0 : index
    %get3A_3 = vector.load %arg2[%get3A, %get3A_2] : memref<4608x64xf32, #tpu.memory_space<vmem>>, vector<4608x64xf32>
    %get3A_4 = arith.constant 0 : index
    %get3A_5 = arith.constant 0 : index
    %get3A_6 = vector.load %arg1[%get3A_4, %get3A_5] : memref<4608x64xf32, #tpu.memory_space<vmem>>, vector<4608x64xf32>
    %sub3A = arith.subf %get3A_3, %get3A_6 : vector<4608x64xf32>
    %mul3A = arith.mulf %sub3A, %sub3A : vector<4608x64xf32>
    %mul3A_7 = arith.mulf %mul3A, %mul3A : vector<4608x64xf32>
    %slice3A = vector.extract_strided_slice %mul3A_7 {offsets = [0, 0], sizes = [576, 64], strides = [1, 1]} : vector<4608x64xf32> to vector<576x64xf32>
    %reduce_sum3A = arith.constant dense<0.000000e+00> : vector<64xf32>
    %reduce_sum3A_8 = vector.multi_reduction <add>, %slice3A, %reduce_sum3A [0] : vector<576x64xf32> to vector<64xf32>
    %sqrt3A = math.sqrt %reduce_sum3A_8 : vector<64xf32>
    %reduce_sum3A_9 = vector.shape_cast %sqrt3A : vector<64xf32> to vector<1x64xf32>
    %reduce_sum3A_10 = arith.constant dense<0.000000e+00> : vector<1xf32>
    %reduce_sum3A_11 = vector.multi_reduction <add>, %reduce_sum3A_9, %reduce_sum3A_10 [1] : vector<1x64xf32> to vector<1xf32>
    %reduce_sum3A_12 = vector.shape_cast %reduce_sum3A_11 : vector<1xf32> to vector<1x1xf32>
    %reduce_sum3A_13 = vector.extract %reduce_sum3A_12[0, 0] : f32 from vector<1x1xf32>
    %add3A = arith.constant 0.000000e+00 : f32
    %add3A_14 = arith.addf %add3A, %reduce_sum3A_13 : f32
    %slice3A_15 = vector.extract_strided_slice %mul3A_7 {offsets = [576, 0], sizes = [576, 64], strides = [1, 1]} : vector<4608x64xf32> to vector<576x64xf32>
    %reduce_sum3A_16 = arith.constant dense<0.000000e+00> : vector<64xf32>
    %reduce_sum3A_17 = vector.multi_reduction <add>, %slice3A_15, %reduce_sum3A_16 [0] : vector<576x64xf32> to vector<64xf32>
    %sqrt3A_18 = math.sqrt %reduce_sum3A_17 : vector<64xf32>
    %reduce_sum3A_19 = vector.shape_cast %sqrt3A_18 : vector<64xf32> to vector<1x64xf32>
    %reduce_sum3A_20 = arith.constant dense<0.000000e+00> : vector<1xf32>
    %reduce_sum3A_21 = vector.multi_reduction <add>, %reduce_sum3A_19, %reduce_sum3A_20 [1] : vector<1x64xf32> to vector<1xf32>
    %reduce_sum3A_22 = vector.shape_cast %reduce_sum3A_21 : vector<1xf32> to vector<1x1xf32>
    %reduce_sum3A_23 = vector.extract %reduce_sum3A_22[0, 0] : f32 from vector<1x1xf32>
    %add3A_24 = arith.addf %add3A_14, %reduce_sum3A_23 : f32
    %slice3A_25 = vector.extract_strided_slice %mul3A_7 {offsets = [1152, 0], sizes = [576, 64], strides = [1, 1]} : vector<4608x64xf32> to vector<576x64xf32>
    %reduce_sum3A_26 = arith.constant dense<0.000000e+00> : vector<64xf32>
    %reduce_sum3A_27 = vector.multi_reduction <add>, %slice3A_25, %reduce_sum3A_26 [0] : vector<576x64xf32> to vector<64xf32>
    %sqrt3A_28 = math.sqrt %reduce_sum3A_27 : vector<64xf32>
    %reduce_sum3A_29 = vector.shape_cast %sqrt3A_28 : vector<64xf32> to vector<1x64xf32>
    %reduce_sum3A_30 = arith.constant dense<0.000000e+00> : vector<1xf32>
    %reduce_sum3A_31 = vector.multi_reduction <add>, %reduce_sum3A_29, %reduce_sum3A_30 [1] : vector<1x64xf32> to vector<1xf32>
    %reduce_sum3A_32 = vector.shape_cast %reduce_sum3A_31 : vector<1xf32> to vector<1x1xf32>
    %reduce_sum3A_33 = vector.extract %reduce_sum3A_32[0, 0] : f32 from vector<1x1xf32>
    %add3A_34 = arith.addf %add3A_24, %reduce_sum3A_33 : f32
    %slice3A_35 = vector.extract_strided_slice %mul3A_7 {offsets = [1728, 0], sizes = [576, 64], strides = [1, 1]} : vector<4608x64xf32> to vector<576x64xf32>
    %reduce_sum3A_36 = arith.constant dense<0.000000e+00> : vector<64xf32>
    %reduce_sum3A_37 = vector.multi_reduction <add>, %slice3A_35, %reduce_sum3A_36 [0] : vector<576x64xf32> to vector<64xf32>
    %sqrt3A_38 = math.sqrt %reduce_sum3A_37 : vector<64xf32>
    %reduce_sum3A_39 = vector.shape_cast %sqrt3A_38 : vector<64xf32> to vector<1x64xf32>
    %reduce_sum3A_40 = arith.constant dense<0.000000e+00> : vector<1xf32>
    %reduce_sum3A_41 = vector.multi_reduction <add>, %reduce_sum3A_39, %reduce_sum3A_40 [1] : vector<1x64xf32> to vector<1xf32>
    %reduce_sum3A_42 = vector.shape_cast %reduce_sum3A_41 : vector<1xf32> to vector<1x1xf32>
    %reduce_sum3A_43 = vector.extract %reduce_sum3A_42[0, 0] : f32 from vector<1x1xf32>
    %add3A_44 = arith.addf %add3A_34, %reduce_sum3A_43 : f32
    %slice3A_45 = vector.extract_strided_slice %mul3A_7 {offsets = [2304, 0], sizes = [576, 64], strides = [1, 1]} : vector<4608x64xf32> to vector<576x64xf32>
    %reduce_sum3A_46 = arith.constant dense<0.000000e+00> : vector<64xf32>
    %reduce_sum3A_47 = vector.multi_reduction <add>, %slice3A_45, %reduce_sum3A_46 [0] : vector<576x64xf32> to vector<64xf32>
    %sqrt3A_48 = math.sqrt %reduce_sum3A_47 : vector<64xf32>
    %reduce_sum3A_49 = vector.shape_cast %sqrt3A_48 : vector<64xf32> to vector<1x64xf32>
    %reduce_sum3A_50 = arith.constant dense<0.000000e+00> : vector<1xf32>
    %reduce_sum3A_51 = vector.multi_reduction <add>, %reduce_sum3A_49, %reduce_sum3A_50 [1] : vector<1x64xf32> to vector<1xf32>
    %reduce_sum3A_52 = vector.shape_cast %reduce_sum3A_51 : vector<1xf32> to vector<1x1xf32>
    %reduce_sum3A_53 = vector.extract %reduce_sum3A_52[0, 0] : f32 from vector<1x1xf32>
    %add3A_54 = arith.addf %add3A_44, %reduce_sum3A_53 : f32
    %slice3A_55 = vector.extract_strided_slice %mul3A_7 {offsets = [2880, 0], sizes = [576, 64], strides = [1, 1]} : vector<4608x64xf32> to vector<576x64xf32>
    %reduce_sum3A_56 = arith.constant dense<0.000000e+00> : vector<64xf32>
    %reduce_sum3A_57 = vector.multi_reduction <add>, %slice3A_55, %reduce_sum3A_56 [0] : vector<576x64xf32> to vector<64xf32>
    %sqrt3A_58 = math.sqrt %reduce_sum3A_57 : vector<64xf32>
    %reduce_sum3A_59 = vector.shape_cast %sqrt3A_58 : vector<64xf32> to vector<1x64xf32>
    %reduce_sum3A_60 = arith.constant dense<0.000000e+00> : vector<1xf32>
    %reduce_sum3A_61 = vector.multi_reduction <add>, %reduce_sum3A_59, %reduce_sum3A_60 [1] : vector<1x64xf32> to vector<1xf32>
    %reduce_sum3A_62 = vector.shape_cast %reduce_sum3A_61 : vector<1xf32> to vector<1x1xf32>
    %reduce_sum3A_63 = vector.extract %reduce_sum3A_62[0, 0] : f32 from vector<1x1xf32>
    %add3A_64 = arith.addf %add3A_54, %reduce_sum3A_63 : f32
    %slice3A_65 = vector.extract_strided_slice %mul3A_7 {offsets = [3456, 0], sizes = [576, 64], strides = [1, 1]} : vector<4608x64xf32> to vector<576x64xf32>
    %reduce_sum3A_66 = arith.constant dense<0.000000e+00> : vector<64xf32>
    %reduce_sum3A_67 = vector.multi_reduction <add>, %slice3A_65, %reduce_sum3A_66 [0] : vector<576x64xf32> to vector<64xf32>
    %sqrt3A_68 = math.sqrt %reduce_sum3A_67 : vector<64xf32>
    %reduce_sum3A_69 = vector.shape_cast %sqrt3A_68 : vector<64xf32> to vector<1x64xf32>
    %reduce_sum3A_70 = arith.constant dense<0.000000e+00> : vector<1xf32>
    %reduce_sum3A_71 = vector.multi_reduction <add>, %reduce_sum3A_69, %reduce_sum3A_70 [1] : vector<1x64xf32> to vector<1xf32>
    %reduce_sum3A_72 = vector.shape_cast %reduce_sum3A_71 : vector<1xf32> to vector<1x1xf32>
    %reduce_sum3A_73 = vector.extract %reduce_sum3A_72[0, 0] : f32 from vector<1x1xf32>
    %add3A_74 = arith.addf %add3A_64, %reduce_sum3A_73 : f32
    %slice3A_75 = vector.extract_strided_slice %mul3A_7 {offsets = [4032, 0], sizes = [576, 64], strides = [1, 1]} : vector<4608x64xf32> to vector<576x64xf32>
    %reduce_sum3A_76 = arith.constant dense<0.000000e+00> : vector<64xf32>
    %reduce_sum3A_77 = vector.multi_reduction <add>, %slice3A_75, %reduce_sum3A_76 [0] : vector<576x64xf32> to vector<64xf32>
    %sqrt3A_78 = math.sqrt %reduce_sum3A_77 : vector<64xf32>
    %reduce_sum3A_79 = vector.shape_cast %sqrt3A_78 : vector<64xf32> to vector<1x64xf32>
    %reduce_sum3A_80 = arith.constant dense<0.000000e+00> : vector<1xf32>
    %reduce_sum3A_81 = vector.multi_reduction <add>, %reduce_sum3A_79, %reduce_sum3A_80 [1] : vector<1x64xf32> to vector<1xf32>
    %reduce_sum3A_82 = vector.shape_cast %reduce_sum3A_81 : vector<1xf32> to vector<1x1xf32>
    %reduce_sum3A_83 = vector.extract %reduce_sum3A_82[0, 0] : f32 from vector<1x1xf32>
    %add3A_84 = arith.addf %add3A_74, %reduce_sum3A_83 : f32
    %get3A_85 = arith.constant 0 : index
    %get3A_86 = memref.load %arg7[%get3A_85] : memref<1xf32, #tpu.memory_space<smem>>
    %add3A_87 = arith.addf %get3A_86, %add3A_84 : f32
    %swap3A = arith.constant 0 : index
    %swap3A_88 = memref.load %arg7[%swap3A] : memref<1xf32, #tpu.memory_space<smem>>
    memref.store %add3A_87, %arg7[%swap3A] : memref<1xf32, #tpu.memory_space<smem>>
    %eq3A_89 = arith.constant 7 : i32
    %eq3A_90 = arith.cmpi eq, %arg0, %eq3A_89 : i32
    %convert_element_type3A_91 = arith.extui %eq3A_90 : i1 to i32
    %cond3A_92 = arith.constant 0 : i32
    %cond3A_93 = arith.cmpi ne, %convert_element_type3A_91, %cond3A_92 : i32
    scf.if %cond3A_93 {
      %get3A_94 = arith.constant 0 : index
      %get3A_95 = memref.load %arg7[%get3A_94] : memref<1xf32, #tpu.memory_space<smem>>
      %div3A = arith.constant 4.096000e+03 : f32
      %div3A_96 = arith.divf %get3A_95, %div3A : f32
      %swap3A_97 = arith.constant 0 : index
      %swap3A_98 = arith.constant 0 : index
      %swap3A_99 = memref.load %arg5[%swap3A_97, %swap3A_98] : memref<1x1xf32, #tpu.memory_space<smem>>
      memref.store %div3A_96, %arg5[%swap3A_97, %swap3A_98] : memref<1x1xf32, #tpu.memory_space<smem>>
      %mul3A_100 = arith.constant 1.000000e+00 : f32
      %mul3A_101 = arith.mulf %mul3A_100, %div3A_96 : f32
      %mul3A_102 = arith.constant 5.000000e-01 : f32
      %mul3A_103 = arith.mulf %mul3A_102, %div3A_96 : f32
      %add3A_104 = arith.addf %mul3A_101, %mul3A_103 : f32
      %get3A_105 = arith.constant 0 : index
      %get3A_106 = arith.constant 0 : index
      %get3A_107 = memref.load %arg4[%get3A_105, %get3A_106] : memref<1x1xf32, #tpu.memory_space<smem>>
      %mul3A_108 = arith.constant 0.000000e+00 : f32
      %mul3A_109 = arith.mulf %mul3A_108, %get3A_107 : f32
      %add3A_110 = arith.addf %add3A_104, %mul3A_109 : f32
      %swap3A_111 = arith.constant 0 : index
      %swap3A_112 = arith.constant 0 : index
      %swap3A_113 = memref.load %arg6[%swap3A_111, %swap3A_112] : memref<1x1xf32, #tpu.memory_space<smem>>
      memref.store %add3A_110, %arg6[%swap3A_111, %swap3A_112] : memref<1x1xf32, #tpu.memory_space<smem>>
    } else {
    }
    return
  }
  func.func @transform_0(%arg0: i32) -> (i32, i32) {
    %add3A = arith.constant 0 : i32
    %add3A_0 = arith.addi %arg0, %add3A : i32
    %c0_i32 = arith.constant 0 : i32
    %c0_i32_1 = arith.constant 0 : i32
    return %add3A_0, %c0_i32 : i32, i32
  }
  func.func @transform_1(%arg0: i32) -> (i32, i32) {
    %c0_i32 = arith.constant 0 : i32
    %c0_i32_0 = arith.constant 0 : i32
    return %arg0, %c0_i32 : i32, i32
  }
  func.func @transform_2(%arg0: i32) -> (i32, i32) {
    %c0_i32 = arith.constant 0 : i32
    %c0_i32_0 = arith.constant 0 : i32
    %c0_i32_1 = arith.constant 0 : i32
    return %c0_i32, %c0_i32_0 : i32, i32
  }
  func.func @transform_3(%arg0: i32) -> (i32, i32) {
    %c0_i32 = arith.constant 0 : i32
    %c0_i32_0 = arith.constant 0 : i32
    %c0_i32_1 = arith.constant 0 : i32
    return %c0_i32, %c0_i32_0 : i32, i32
  }
  func.func @transform_4(%arg0: i32) -> (i32, i32) {
    %c0_i32 = arith.constant 0 : i32
    %c0_i32_0 = arith.constant 0 : i32
    %c0_i32_1 = arith.constant 0 : i32
    return %c0_i32, %c0_i32_0 : i32, i32
  }
  func.func @transform_5(%arg0: i32) -> (i32, i32) {
    %c0_i32 = arith.constant 0 : i32
    %c0_i32_0 = arith.constant 0 : i32
    %c0_i32_1 = arith.constant 0 : i32
    return %c0_i32, %c0_i32_0 : i32, i32
  }
}

</mosaic_0001>

<sc_bundles>
// kernel: kernel.6.cloned.1.call-start
scs
__scs_entry_jumppad:
0x0: {  	(pc) =	sbr.rel $0x88, $3  }
0x1: {  	(tag) =	ssettag $0x0;
	lr =	simm.s32 $0x1  }
0x2: {  	[smem:$0x3F9F] =	sst lr;
	_ =	strace $0xD0000000  }
0x3: {  	_ = 	snop  }
0x4: {  	_ = 	snop  }
0x5: {  	_ = 	snop  }
0x6: {  	_ = 	snop  }
0x7: {  	_ = 	snop  }
__scs_overlays_trampoline_lowered:
0x8: {  	[smem:$0x3FAE] =	sst s0  }
0x9: {  	[smem:$0x3FAF] =	sst s1  }
0xa: {  	[smem:$0x3FB0] =	sst s2  }
0xb: {  	[smem:$0x3FB1] =	sst s3  }
0xc: {  	[smem:$0x3FB2] =	sst s4  }
0xd: {  	[smem:$0x3FB3] =	sst s5  }
0xe: {  	[smem:$0x3FB4] =	sst s6  }
0xf: {  	[smem:$0x3FB5] =	sst s7  }
0x10: {  	[smem:$0x3FB6] =	sst s8  }
0x11: {  	[smem:$0x3FB7] =	sst s9;
	s0 =	simm.s32 @!p0 $0x0  }
0x12: {  	s1 =	sld [smem:$0x3F9D];
	s0 =	simm.s32 @p0 $0x1  }
0x13: {  	[smem:$0x3FB8] =	sst s0;
	s0 =	simm.s32 @!p1 $0x0  }
0x14: {  	s2 =	sld [smem:$0x3F9C];
	s0 =	simm.s32 @p1 $0x1  }
0x15: {  	[smem:$0x3FB9] =	sst s0;
	s0 =	simm.s32 @!p2 $0x0  }
0x16: {  	s3 =	sld [smem:$0x3FDB];
	s0 =	simm.s32 @p2 $0x1  }
0x17: {  	s4 =	simm.s32 $0x1BF5;
	[smem:$0x3FBB] =	sst s0  }
0x18: {  	s0 =	sld [smem:$0x3F9E];
	_ =	swait.ge [sflag:s4], $0x0  }
0x19: {  	s7 =	sld [smem:$0x3F9F]  }
0x1a: {  	s8 =	sadd.s32 $0xFFFFE003, lr  }
0x1b: {  	s9 =	sadd.s32 $0xFFFFFEF7, lr;
	s5 =	simm.s32 $0xFFFFFFFF;
	p2 =	slt.u32 s8, $0xFFFFF086  }
0x1c: {  	p1 =	slt.u32 s9, $0xF7A;
	s5 =	simm.s32 @!p2 $0x0  }
0x1d: {  	s5 =	simm.s32 @p1 $0x1;
	p0 =	seq.s32 s7, s2  }
0x1e: {  	s7 =	smul.u32 @!p0 $0xF7A, s2;
	p2 =	seq.s32 @!p0 s5, $0x0  }
0x1f: {  	s9 =	smul.u32 $0xF7A, s1;
	s8 =	simm.s32 @!p0 $0x1BF5;
	p2 =	por !p2, p0  }
0x20: {  	[sflag:s8] =	ssyncset.s32 @!p0 $0xFFFFF086;
	s6 =	sadd.s32 @!p0 s3, s7;
	s7 =	simm.s32 @!p0 $0x108  }
0x21: {  	s3 =	sadd.s32 s3, s9;
	s6 =	sadd.s32 @!p0 $0x88, s6;
	s7 =	simm.s32 @p2 $0x1082  }
0x22: {  	[simem:s7], [sflag:s8] =	dma.local @!p0 [hbm:s6], $0xF7A  }
0x23: {  	s9 =	sor.u32 $0xD0000000, s2;
	s6 =	simm.s32 $0x108;
	_ =	swait.ge @!p0 [sflag:s8], $0x0  }
0x24: {  	s3 =	sadd.s32 $0x88, s3;
	s6 =	simm.s32 @!p1 $0x1082;
	[sflag:s4] =	ssyncset.s32 $0xFFFFF086  }
0x25: {  	[simem:s6], [sflag:s4] =	dma.local [hbm:s3], $0xF7A  }
0x26: {  	[smem:$0x3F9F] =	sst s1;
	(tag) =	ssettag s2;
	_ =	strace s9  }
0x27: {  	s1 =	sld [smem:$0x3FAF]  }
0x28: {  	s2 =	sld [smem:$0x3FB0]  }
0x29: {  	s4 =	sld [smem:$0x3FB2]  }
0x2a: {  	p0 =	seq.s32 s5, $0x0;
	s5 =	sld [smem:$0x3FB3]  }
0x2b: {  	s6 =	sld [smem:$0x3FB4]  }
0x2c: {  	s7 =	sld [smem:$0x3FB5]  }
0x2d: {  	s3 =	simm.s32 $0x108;
	s8 =	sld [smem:$0x3FB6]  }
0x2e: {  	s3 =	simm.s32 @!p0 $0x1082;
	s9 =	sld [smem:$0x3FB7]  }
0x2f: {  	lr =	sadd.s32 s0, s3;
	s0 =	sld [smem:$0x3FAE]  }
0x30: {  	s3 =	sld [smem:$0x3FB1]  }
0x31: {  	[smem:$0x3FBA] =	sst s10  }
0x32: {  	s10 =	sld [smem:$0x3FB8];
	_ =	sdelay $0x3  }
0x33: {  	p0 =	seq.s32 s10, $0x1;
	s10 =	sld [smem:$0x3FBA];
	_ =	sdelay $0x3  }
0x34: {  	[smem:$0x3FBA] =	sst s10  }
0x35: {  	s10 =	sld [smem:$0x3FB9];
	_ =	sdelay $0x3  }
0x36: {  	p1 =	seq.s32 s10, $0x1;
	s10 =	sld [smem:$0x3FBA];
	_ =	sdelay $0x3  }
0x37: {  	[smem:$0x3FBA] =	sst s10  }
0x38: {  	s10 =	sld [smem:$0x3FBB]  }
0x39: {  	_ = 	snop;
	(pc) =	sbr.ind lr, $3  }
0x3a: {  	_ = 	snop  }
0x3b: {  	_ = 	snop  }
0x3c: {  	p2 =	seq.s32 s10, $0x1;
	s10 =	sld [smem:$0x3FBA]  }
0x3d: {  	_ =	shalt  }
0x3e: {  	_ =	shalt  }
0x3f: {  	_ =	shalt  }
0x40: {  	_ =	shalt  }
0x41: {  	_ =	shalt  }
0x42: {  	_ =	shalt  }
0x43: {  	_ =	shalt  }
0x44: {  	_ =	shalt  }
0x45: {  	_ =	shalt  }
0x46: {  	_ =	shalt  }
0x47: {  	_ =	shalt  }
0x48: {  	_ =	shalt  }
0x49: {  	_ =	shalt  }
0x4a: {  	_ =	shalt  }
0x4b: {  	_ =	shalt  }
0x4c: {  	_ =	shalt  }
0x4d: {  	_ =	shalt  }
0x4e: {  	_ =	shalt  }
0x4f: {  	_ =	shalt  }
0x50: {  	_ =	shalt  }
0x51: {  	_ =	shalt  }
0x52: {  	_ =	shalt  }
0x53: {  	_ =	shalt  }
0x54: {  	_ =	shalt  }
0x55: {  	_ =	shalt  }
0x56: {  	_ =	shalt  }
0x57: {  	_ =	shalt  }
0x58: {  	_ =	shalt  }
0x59: {  	_ =	shalt  }
0x5a: {  	_ =	shalt  }
0x5b: {  	_ =	shalt  }
0x5c: {  	_ =	shalt  }
0x5d: {  	_ =	shalt  }
0x5e: {  	_ =	shalt  }
0x5f: {  	_ =	shalt  }
0x60: {  	_ =	shalt  }
0x61: {  	_ =	shalt  }
0x62: {  	_ =	shalt  }
0x63: {  	_ =	shalt  }
0x64: {  	_ =	shalt  }
0x65: {  	_ =	shalt  }
0x66: {  	_ =	shalt  }
0x67: {  	_ =	shalt  }
0x68: {  	_ =	shalt  }
0x69: {  	_ =	shalt  }
0x6a: {  	_ =	shalt  }
0x6b: {  	_ =	shalt  }
0x6c: {  	_ =	shalt  }
0x6d: {  	_ =	shalt  }
0x6e: {  	_ =	shalt  }
0x6f: {  	_ =	shalt  }
0x70: {  	_ =	shalt  }
0x71: {  	_ =	shalt  }
0x72: {  	_ =	shalt  }
0x73: {  	_ =	shalt  }
0x74: {  	_ =	shalt  }
0x75: {  	_ =	shalt  }
0x76: {  	_ =	shalt  }
0x77: {  	_ =	shalt  }
0x78: {  	_ =	shalt  }
0x79: {  	_ =	shalt  }
0x7a: {  	_ =	shalt  }
0x7b: {  	_ =	shalt  }
0x7c: {  	_ =	shalt  }
0x7d: {  	_ =	shalt  }
0x7e: {  	_ =	shalt  }
0x7f: {  	_ =	shalt  }
0x80: {  	_ =	shalt  }
0x81: {  	_ =	shalt  }
0x82: {  	_ =	shalt  }
0x83: {  	_ =	shalt  }
0x84: {  	_ =	shalt  }
0x85: {  	_ =	shalt  }
0x86: {  	_ =	shalt  }
0x87: {  	_ =	shalt  }
.Lfunc_end0:
.L_simem_size_0:
called_computation_lowered:
.L_overlay_start_0:
0x88: {  	s2 =	sld [smem:$0x3FD9]  }
0x89: {  	s3 =	sld [smem:$0x3FFE];
	_ =	sdelay $0x1  }
0x8a: {  	s1 =	srdreg.scid  }
0x8b: {  	s0 =	sand.u32 $0x1, s1  }
0x8c: {  	s14 =	sshll.u32 s0, $0xA;
	s2 =	sadd.s32 s3, s2  }
0x8d: {  	s2 =	sadd.s32 s2, s14  }
0x8e: {  	[smem:$0x3FC6] =	sst s2  }
0x8f: {  	_ = 	snop  }
0x90: {  	s2 =	sld [smem:$0x3FD0];
	_ =	sdelay $0x2  }
0x91: {  	s15 =	simm.s32 $0xA;
	s4 =	simm.s32 $0x10  }
0x92: {  	[smem:s4], [sflag:s15] =	dma.local [hbm:s2], $0x1  }
0x93: {  	_ =	swait.eq [sflag:s15], $0x1  }
0x94: {  	s16 =	sld [smem:$0x15];
	[sflag:s15] =	ssyncset.done $0x0  }
0x95: {  	s17 =	sld [smem:$0x16];
	[sflag:s15] =	ssyncadd.s32 $0xFFFFFFFF  }
0x96: {  	s18 =	sld [smem:$0x17];
	(tm) =	ssettm $0x1  }
0x97: {  	s5 =	sld [smem:$0x3FFB];
	_ =	sdelay $0x3  }
0x98: {  	_ =	strace s5  }
0x99: {  	s5 =	sld [smem:$0x3FFC];
	_ =	sdelay $0x3  }
0x9a: {  	_ =	strace s5  }
0x9b: {  	s5 =	sld [smem:$0x3FFD];
	_ =	sdelay $0x3  }
0x9c: {  	_ =	strace s5  }
0x9d: {  	_ =	strace $0x8FFFFFFF  }
0x9e: {  	s19 =	sld [smem:$0x3FDB];
	_ =	sdelay $0x1  }
0x9f: {  	s6 =	simm.s32 $_scs_section_size  }
0xa0: {  	s7 =	simm.s32 $_size__tile_overlayer_lowered;
	s8 =	simm.s32 $_tile_overlayer_lowered  }
0xa1: {  	s22 =	simm.s32 $0x1BFF;
	s21 =	sshll.u32 s8, $0x1;
	s5 =	sadd.s32 s6, s19  }
0xa2: {  	s9 =	simm.s32 $0x0;
	s20 =	sshll.u32 s7, $0x1;
	s7 =	sadd.s32 s21, s5  }
0xa3: {  	[timem:s9], [sflag:s22] =	dma.local [hbm:s7], s20  }
0xa4: {  	_ =	swait.ge [sflag:s22], s20  }
0xa5: {  	s6 =	ssub.s32 $0x0, s20;
	[sflag:s22] =	ssyncset.done $0x0  }
0xa6: {  	[sflag:s22] =	ssyncadd.s32 s6;
	_ =	sdelay $0x1  }
0xa7: {  	s23 =	simm.s32 $0x1B8B  }
0xa8: {  	_ =	swait.ge [sflag:s23], $0x1  }
0xa9: {  	[sflag:s23] =	ssyncset.done $0x0  }
0xaa: {  	s25 =	simm.s32 $0x1B8E;
	s24 =	sld [smem:$0x3FFE];
	[sflag:s23] =	ssyncadd.s32 $0xFFFFFFFF  }
0xab: {  	s26 =	simm.s32 $execute0_lowered;
	[smem:$0x3FD2] =	sst s25  }
0xac: {  	s7 =	sshll.u32 s26, $0x1;
	_ =	strace $0x80000046;
	[dreg:$0x1] =	wrdreg $0xFFFFFFFF  }
0xad: {  	s28 =	simm.s32 $_size_execute0_lowered;
	s5 =	sadd.s32 s5, s7;
	[dreg:$0x0] =	wrdreg $0x0  }
0xae: {  	s7 =	sshll.u32 s28, $0x1;
	[dreg:$0x2] =	wrdreg s5  }
0xaf: {  	[dreg:$0x3] =	wrdreg s7  }
0xb0: {  	[dreg:$0x4] =	wrdreg $0xC0  }
0xb1: {  	_ =	task [dreg:s9], $0x5FFFF  }
0xb2: {  	[dreg:$0x1] =	wrdreg $0xFFFFFFFF  }
0xb3: {  	[dreg:$0x0] =	wrdreg $0x60  }
0xb4: {  	[dreg:$0x2] =	wrdreg s16  }
0xb5: {  	[dreg:$0x3] =	wrdreg s18  }
0xb6: {  	[dreg:$0x4] =	wrdreg s17  }
0xb7: {  	[dreg:$0x5] =	wrdreg s24  }
0xb8: {  	[dreg:$0x6] =	wrdreg $0x9  }
0xb9: {  	_ =	task.clear_ibuf [dreg:s9], $0x7FFFF;
	_ =	strace $0x90000046  }
0xba: {  	s29 =	simm.s32 $0x9;
	_ =	strace $0x80000048  }
0xbb: {  	_ =	swait.ge [sflag:s29], $0x1  }
0xbc: {  	[sflag:s29] =	ssyncadd.s32 $0xFFFFFFFF  }
0xbd: {  	_ =	strace $0x90000048  }
0xbe: {  	_ =	sfence  }
0xbf: {  	s30 =	sld [smem:$0x0];
	_ =	sdelay $0x2  }
0xc0: {  	s31 =	sshll.u32 s1, $0xD;
	s1 =	sshrl.u32 s1, $0x2  }
0xc1: {  	s3 =	sand.u32 $0x4000, s31;
	s1 =	sadd.s32 s1, s30  }
0xc2: {  	s0 =	sor.u32 s3, s0;
	s1 =	sshll.u32 s1, $0x11  }
0xc3: {  	s0 =	sor.u32 s1, s0  }
0xc4: {  	s0 =	sadd.s32 $0x8F2B, s0  }
0xc5: {  	[sflag:s0] =	ssyncadd.remote.s32 $0x1  }
0xc6: {  	_ =	sfence.sel $0xFFFF  }
0xc7: {  	[dreg:$0x0] =	wrdreg $0xFFFFFFFF;
	(pc) =	sbr.abs _section_cstart, $3  }
0xc8: {  	[dreg:$0x1] =	wrdreg $0xFFFFFFFF  }
0xc9: {  	_ =	task.clear_ibuf [dreg:s9], $0x2FFFF;
	_ =	strace $0x9FFFFFFF  }
0xca: {  	(tm) =	ssettm $0x7FFFFFFF  }
0xcb: {  	_ =	shalt  }
tec
execute0_lowered:
.L_overlay_start_1:
0x0: {  	(tag) =	ssettag $0x1  }
0x1: {  	s2 =	srdreg.scid;
	s0 =	stileid.u32  }
0x2: {  	s1 =	rddreg [dreg:$0x0];
	s30 =	sand.u32 $0x1, s2;
	s31 =	sshll.u32 s0, $0x1  }
0x3: {  	s4 =	rddreg [dreg:$0x1];
	s31 =	sor.u32 s30, s31  }
0x4: {  	s29 =	rddreg [dreg:$0x2];
	s5 =	smul.u32 $0x480, s31  }
0x5: {  	s26 =	rddreg [dreg:$0x3];
	s3 =	simm.s32 $0x0  }
0x6: {  	[smem:$0x7FF] =	sst s3;
	s5 =	sshrl.u32 s5, $0x3  }
0x7: {  	_ =	strace $0x80000047;
	s5 =	sadd.s32 s4, s5;
	s4 =	simm.s32 $0x2  }
0x8: {  	[tilespmem:s3], [sflag:$0x2] =	stream.linear.gather [hbm4b:s5+s3], $0x480, $0x38;
	[tilespmem:$0x12900] =	vst v63  }
0x9: {  	_ =	swait.ge [sflag:s4], $0x480  }
0xa: {  	[sflag:s4] =	ssyncset.done $0x0  }
0xb: {  	s6 =	simm.s32 $0x80;
	s7 =	simm.s32 $0x900;
	[sflag:s4] =	ssyncadd.s32 $0xFFFFFB80  }
0xc: {  	[tilespmem:s7], [sflag:$0x1] =	stream.indirect.gather [hbm4b:s1+s6], $0x40, s3, s6, $0xb8;
	[tilespmem:$0x12900] =	vst v63  }
0xd: {  	s8 =	simm.s32 $0x2900  }
0xe: {  	[tilespmem:s8], [sflag:$0x1] =	stream.indirect.gather [hbm4b:s1+s6], $0x40, s6, s6, $0xb8;
	[tilespmem:$0x12900] =	vst v63  }
0xf: {  	s9 =	simm.s32 $0x100;
	s10 =	simm.s32 $0x4900  }
0x10: {  	[tilespmem:s10], [sflag:$0x1] =	stream.indirect.gather [hbm4b:s1+s6], $0x40, s9, s6, $0xb8;
	[tilespmem:$0x12900] =	vst v63  }
0x11: {  	s11 =	simm.s32 $0x180;
	s12 =	simm.s32 $0x6900  }
0x12: {  	[tilespmem:s12], [sflag:$0x1] =	stream.indirect.gather [hbm4b:s1+s6], $0x40, s11, s6, $0xb8;
	[tilespmem:$0x12900] =	vst v63  }
0x13: {  	s13 =	simm.s32 $0x200;
	s14 =	simm.s32 $0x8900  }
0x14: {  	[tilespmem:s14], [sflag:$0x1] =	stream.indirect.gather [hbm4b:s1+s6], $0x40, s13, s6, $0xb8;
	[tilespmem:$0x12900] =	vst v63  }
0x15: {  	s15 =	simm.s32 $0x280;
	s16 =	simm.s32 $0xA900  }
0x16: {  	[tilespmem:s16], [sflag:$0x1] =	stream.indirect.gather [hbm4b:s1+s6], $0x40, s15, s6, $0xb8;
	[tilespmem:$0x12900] =	vst v63  }
0x17: {  	s17 =	simm.s32 $0x300;
	s18 =	simm.s32 $0xC900  }
0x18: {  	[tilespmem:s18], [sflag:$0x1] =	stream.indirect.gather [hbm4b:s1+s6], $0x40, s17, s6, $0xb8;
	[tilespmem:$0x12900] =	vst v63  }
0x19: {  	s19 =	simm.s32 $0x380;
	s20 =	simm.s32 $0xE900  }
0x1a: {  	[tilespmem:s20], [sflag:$0x1] =	stream.indirect.gather [hbm4b:s1+s6], $0x40, s19, s6, $0xb8;
	[tilespmem:$0x12900] =	vst v63  }
0x1b: {  	s21 =	simm.s32 $0x400;
	s22 =	simm.s32 $0x10900  }
0x1c: {  	[tilespmem:s22], [sflag:$0x1] =	stream.indirect.gather [hbm4b:s1+s6], $0x40, s21, s6, $0xb8;
	[tilespmem:$0x12900] =	vst v63  }
0x1d: {  	s23 =	simm.s32 $0x480  }
0x1e: {  	[tilespmem:s23], [sflag:$0x2] =	stream.linear.gather [hbm4b:s5+s3], $0x240, $0x38;
	[tilespmem:$0x12900] =	vst v63  }
0x1f: {  	_ =	swait.ge [sflag:s4], $0x240  }
0x20: {  	s25 =	simm.s32 $0x6C0;
	[sflag:s4] =	ssyncset.done $0x0  }
0x21: {  	s28 =	smul.u32 $0x90, s31;
	s24 =	sadd.s32 $0x48, s5;
	[sflag:s4] =	ssyncadd.s32 $0xFFFFFDC0  }
0x22: {  	[tilespmem:s25], [sflag:$0x2] =	stream.linear.gather [hbm4b:s24+s3], $0x240, $0x38;
	[tilespmem:$0x12900] =	vst v63  }
0x23: {  	_ =	swait.ge [sflag:s4], $0x240  }
0x24: {  	s26 =	sadd.s32 s28, s26;
	[sflag:s4] =	ssyncset.done $0x0  }
0x25: {  	s26 =	sadd.s32 $0x92C00, s26;
	[sflag:s4] =	ssyncadd.s32 $0xFFFFFDC0  }
0x26: {  	[hbm4b:s26+s3] =	stream.linear.scatter [tilespmem:s23], [sflag:$0x2], $0x480, $0x38;
	[tilespmem:$0x12900] =	vst v63  }
0x27: {  	_ =	swait.ge [sflag:s4], $0x480  }
0x28: {  	[sflag:s4] =	ssyncset.done $0x0  }
0x29: {  	s28 =	simm.s32 $0x1;
	[sflag:s4] =	ssyncadd.s32 $0xFFFFFB80  }
0x2a: {  	_ =	swait.ge [sflag:s28], $0x2000  }
0x2b: {  	[sflag:s28] =	ssyncset.done $0x0  }
0x2c: {  	[sflag:s28] =	ssyncadd.s32 $0xFFFFE000  }
0x2d: {  	_ =	swait.ge [sflag:s28], $0x2000  }
0x2e: {  	[sflag:s28] =	ssyncset.done $0x0  }
0x2f: {  	[sflag:s28] =	ssyncadd.s32 $0xFFFFE000  }
0x30: {  	_ =	swait.ge [sflag:s28], $0x2000  }
0x31: {  	[sflag:s28] =	ssyncset.done $0x0  }
0x32: {  	[sflag:s28] =	ssyncadd.s32 $0xFFFFE000  }
0x33: {  	_ =	swait.ge [sflag:s28], $0x2000  }
0x34: {  	[sflag:s28] =	ssyncset.done $0x0  }
0x35: {  	[sflag:s28] =	ssyncadd.s32 $0xFFFFE000  }
0x36: {  	_ =	swait.ge [sflag:s28], $0x2000  }
0x37: {  	[sflag:s28] =	ssyncset.done $0x0  }
0x38: {  	[sflag:s28] =	ssyncadd.s32 $0xFFFFE000  }
0x39: {  	_ =	swait.ge [sflag:s28], $0x2000  }
0x3a: {  	[sflag:s28] =	ssyncset.done $0x0  }
0x3b: {  	[sflag:s28] =	ssyncadd.s32 $0xFFFFE000  }
0x3c: {  	_ =	swait.ge [sflag:s28], $0x2000  }
0x3d: {  	[sflag:s28] =	ssyncset.done $0x0  }
0x3e: {  	s30 =	ssub.s32 $0x2, s30;
	[sflag:s28] =	ssyncadd.s32 $0xFFFFE000  }
0x3f: {  	s2 =	sshrl.u32 s30, $0x1;
	_ =	swait.ge [sflag:s28], $0x2000  }
0x40: {  	s2 =	ssub.s32 s30, s2;
	[sflag:s28] =	ssyncset.done $0x0  }
0x41: {  	s2 =	smax.u32 s2, $0x1;
	[sflag:s28] =	ssyncadd.s32 $0xFFFFE000  }
0x42: {  	s31 =	smul.u32 $0x2400, s31;
	p0 =	sne.s32 s2, $0x1;
	_ =	swait.ge [sflag:s28], $0x2000  }
.Ltmp0:
0x43: {  	[sflag:s28] =	ssyncset.done $0x0;
	(pc) =	sbr.rel @!p0 .LBB2_2-.Ltmp0, $4  }
0x44: {  	s29 =	sadd.s32 s29, s31;
	[sflag:s28] =	ssyncadd.s32 $0xFFFFE000  }
0x45: {  	[hbm4b:s29+s3] =	stream.linear.scatter [tilespmem:s7], [sflag:$0x2], $0x12000, $0x38;
	[tilespmem:$0x12900] =	vst v63  }
0x46: {  	_ =	swait.ge [sflag:s4], $0x12000  }
0x47: {  	s30 =	sadd.s32 $0xFFFFFFFF, s2;
	[sflag:s4] =	ssyncset.done $0x0  }
.LBB2_1:
0x48: {  	p0 =	sne.s32 s30, $0x1;
	s30 =	sadd.s32 $0xFFFFFFFF, s30;
	[sflag:s4] =	ssyncadd.s32 $0xFFFEE000  }
0x49: {  	[tilespmem:s3], [sflag:$0x2] =	stream.linear.gather [hbm4b:s5+s3], $0x480, $0x38;
	[tilespmem:$0x12900] =	vst v63  }
0x4a: {  	_ =	swait.ge [sflag:s4], $0x480  }
0x4b: {  	[sflag:s4] =	ssyncset.done $0x0  }
0x4c: {  	[sflag:s4] =	ssyncadd.s32 $0xFFFFFB80  }
0x4d: {  	[tilespmem:s7], [sflag:$0x1] =	stream.indirect.gather [hbm4b:s1+s6], $0x40, s3, s6, $0xb8;
	[tilespmem:$0x12900] =	vst v63  }
0x4e: {  	_ = 	snop  }
0x4f: {  	[tilespmem:s8], [sflag:$0x1] =	stream.indirect.gather [hbm4b:s1+s6], $0x40, s6, s6, $0xb8;
	[tilespmem:$0x12900] =	vst v63  }
0x50: {  	_ = 	snop  }
0x51: {  	[tilespmem:s10], [sflag:$0x1] =	stream.indirect.gather [hbm4b:s1+s6], $0x40, s9, s6, $0xb8;
	[tilespmem:$0x12900] =	vst v63  }
0x52: {  	_ = 	snop  }
0x53: {  	[tilespmem:s12], [sflag:$0x1] =	stream.indirect.gather [hbm4b:s1+s6], $0x40, s11, s6, $0xb8;
	[tilespmem:$0x12900] =	vst v63  }
0x54: {  	_ = 	snop  }
0x55: {  	[tilespmem:s14], [sflag:$0x1] =	stream.indirect.gather [hbm4b:s1+s6], $0x40, s13, s6, $0xb8;
	[tilespmem:$0x12900] =	vst v63  }
0x56: {  	_ = 	snop  }
0x57: {  	[tilespmem:s16], [sflag:$0x1] =	stream.indirect.gather [hbm4b:s1+s6], $0x40, s15, s6, $0xb8;
	[tilespmem:$0x12900] =	vst v63  }
0x58: {  	_ = 	snop  }
0x59: {  	[tilespmem:s18], [sflag:$0x1] =	stream.indirect.gather [hbm4b:s1+s6], $0x40, s17, s6, $0xb8;
	[tilespmem:$0x12900] =	vst v63  }
0x5a: {  	_ = 	snop  }
0x5b: {  	[tilespmem:s20], [sflag:$0x1] =	stream.indirect.gather [hbm4b:s1+s6], $0x40, s19, s6, $0xb8;
	[tilespmem:$0x12900] =	vst v63  }
0x5c: {  	_ = 	snop  }
0x5d: {  	[tilespmem:s22], [sflag:$0x1] =	stream.indirect.gather [hbm4b:s1+s6], $0x40, s21, s6, $0xb8;
	[tilespmem:$0x12900] =	vst v63  }
0x5e: {  	_ = 	snop  }
0x5f: {  	[tilespmem:s23], [sflag:$0x2] =	stream.linear.gather [hbm4b:s5+s3], $0x240, $0x38;
	[tilespmem:$0x12900] =	vst v63  }
0x60: {  	_ =	swait.ge [sflag:s4], $0x240  }
0x61: {  	[sflag:s4] =	ssyncset.done $0x0  }
0x62: {  	[sflag:s4] =	ssyncadd.s32 $0xFFFFFDC0  }
0x63: {  	[tilespmem:s25], [sflag:$0x2] =	stream.linear.gather [hbm4b:s24+s3], $0x240, $0x38;
	[tilespmem:$0x12900] =	vst v63  }
0x64: {  	_ =	swait.ge [sflag:s4], $0x240  }
0x65: {  	[sflag:s4] =	ssyncset.done $0x0  }
0x66: {  	[sflag:s4] =	ssyncadd.s32 $0xFFFFFDC0  }
0x67: {  	[hbm4b:s26+s3] =	stream.linear.scatter [tilespmem:s23], [sflag:$0x2], $0x480, $0x38;
	[tilespmem:$0x12900] =	vst v63  }
0x68: {  	_ =	swait.ge [sflag:s4], $0x480  }
0x69: {  	[sflag:s4] =	ssyncset.done $0x0  }
0x6a: {  	[sflag:s4] =	ssyncadd.s32 $0xFFFFFB80  }
0x6b: {  	_ =	swait.ge [sflag:s28], $0x2000  }
0x6c: {  	[sflag:s28] =	ssyncset.done $0x0  }
0x6d: {  	[sflag:s28] =	ssyncadd.s32 $0xFFFFE000  }
0x6e: {  	_ =	swait.ge [sflag:s28], $0x2000  }
0x6f: {  	[sflag:s28] =	ssyncset.done $0x0  }
0x70: {  	[sflag:s28] =	ssyncadd.s32 $0xFFFFE000  }
0x71: {  	_ =	swait.ge [sflag:s28], $0x2000  }
0x72: {  	[sflag:s28] =	ssyncset.done $0x0  }
0x73: {  	[sflag:s28] =	ssyncadd.s32 $0xFFFFE000  }
0x74: {  	_ =	swait.ge [sflag:s28], $0x2000  }
0x75: {  	[sflag:s28] =	ssyncset.done $0x0  }
0x76: {  	[sflag:s28] =	ssyncadd.s32 $0xFFFFE000  }
0x77: {  	_ =	swait.ge [sflag:s28], $0x2000  }
0x78: {  	[sflag:s28] =	ssyncset.done $0x0  }
0x79: {  	[sflag:s28] =	ssyncadd.s32 $0xFFFFE000  }
0x7a: {  	_ =	swait.ge [sflag:s28], $0x2000  }
0x7b: {  	[sflag:s28] =	ssyncset.done $0x0  }
0x7c: {  	[sflag:s28] =	ssyncadd.s32 $0xFFFFE000  }
0x7d: {  	_ =	swait.ge [sflag:s28], $0x2000  }
0x7e: {  	[sflag:s28] =	ssyncset.done $0x0  }
0x7f: {  	[sflag:s28] =	ssyncadd.s32 $0xFFFFE000  }
0x80: {  	_ =	swait.ge [sflag:s28], $0x2000  }
0x81: {  	[sflag:s28] =	ssyncset.done $0x0  }
0x82: {  	[sflag:s28] =	ssyncadd.s32 $0xFFFFE000  }
0x83: {  	_ =	swait.ge [sflag:s28], $0x2000  }
.Ltmp1:
0x84: {  	[sflag:s28] =	ssyncset.done $0x0;
	(pc) =	sbr.rel @p0 .LBB2_1-.Ltmp1, $4  }
0x85: {  	[sflag:s28] =	ssyncadd.s32 $0xFFFFE000  }
0x86: {  	[hbm4b:s29+s3] =	stream.linear.scatter [tilespmem:s7], [sflag:$0x2], $0x12000, $0x38;
	[tilespmem:$0x12900] =	vst v63  }
0x87: {  	_ =	swait.ge [sflag:s4], $0x12000  }
0x88: {  	[sflag:s4] =	ssyncset.done $0x0  }
.LBB2_2:
0x89: {  	[sflag:s4] =	ssyncadd.s32 $0xFFFEE000  }
0x8a: {  	_ =	sfence.sel $0x180000  }
0x8b: {  	[bflag:$0x0] =	sbarrier.arrive $0xFFFF  }
0x8c: {  	_ =	strace $0x90000047  }
0x8d: {  	[bflag:$0x2] =	sbarrier.arrive $0xFFFF  }
0x8e: {  	p0 =	sne.s32 s0, $0x0;
	s0 =	rddreg [dreg:$0x4]  }
0x8f: {  	s0 =	sadd.s32 @!p0 $0x100000, s0  }
0x90: {  	[sflag:s0] =	ssyncadd.tile.s32 @!p0 $0x1;
	_ =	shalt  }
.Lfunc_end2:
_tile_overlayer_lowered:
.L_overlay_start_2:
0x91: {  	(tag) =	ssettag $0x2  }
0x92: {  	s0 =	rddreg [dreg:$0x0];
	s2 =	stileid.u32  }
0x93: {  	s1 =	rddreg [dreg:$0x1];
	p0 =	sne.s32 s2, $0x0  }
0x94: {  	s3 =	rddreg [dreg:$0x2];
	[bflag:$0x3] =	sbarrier.arrive $0xFFFF;
	s2 =	simm.s32 @!p0 $0x1C02  }
0x95: {  	[timem:s3], [sflag:s2] =	dma.local @!p0 [hbm:s0], s1  }
0x96: {  	s0 =	simm.s32 @!p0 $0x2  }
0x97: {  	_ =	swait.ge @!p0 [sflag:s0], s1  }
0x98: {  	s1 =	ssub.s32 @!p0 $0x0, s1;
	[sflag:s0] =	ssyncset.done @!p0 $0x0  }
0x99: {  	[sflag:s0] =	ssyncadd.s32 @!p0 s1  }
0x9a: {  	[bflag:$0x3] =	sbarrier.arrive $0xFFFF  }
0x9b: {  	_ =	shalt  }

</sc_bundles>
